<compile_context>
chip_gen: v7x
topology: tpu7x:2x2x1
jax: 0.10.2.dev20260603
libtpu: 0.0.44.dev20260713+nightly
codegen_flags: <defaults>
</compile_context>

<pallas_src>
import dataclasses
import functools

import jax
import jax.numpy as jnp
from jax import lax
from jax.experimental import pallas as pl
from jax.experimental.pallas import tpu as pltpu
from jax.experimental.pallas import tpu_sc as plsc

N = 10000
E = 320000
H = 128
T = 4

NC = 2
NS = 16
NW = NC * NS

BATCH = 128
NB = 80
IDX_CHUNK = 8
RB = 64
RNB = 160
RIDX = 16
NBUF = 4
ROWS_PER_TILE = 640
ACC_ROWS = NS * ROWS_PER_TILE
CNT_W = 16
CROWS = NS * NB
CRPT = CROWS // NS
DUMP = N

_MESH = plsc.VectorSubcoreMesh(core_axis_name="c", subcore_axis_name="s")
_CP = pltpu.CompilerParams()
if "needs_layout_passes" in pltpu.CompilerParams.__dataclass_fields__:
    _CP = dataclasses.replace(_CP, needs_layout_passes=False)


def _yy_body(emb_ref, w_ref, out_ref):
    out_ref[...] = lax.dot_general(
        emb_ref[...], w_ref[0],
        (((1,), (1,)), ((), ())),
        preferred_element_type=jnp.float32,
    )


def _yy_matmul(emb, wstk):
    blk = 400
    return pl.pallas_call(
        _yy_body,
        grid=(8, N // blk),
        in_specs=[
            pl.BlockSpec((blk, H), lambda k, n: (n, 0)),
            pl.BlockSpec((1, H, H), lambda k, n: (k, 0, 0)),
        ],
        out_specs=pl.BlockSpec((blk, H), lambda k, n: (k * (N // blk) + n, 0)),
        out_shape=jax.ShapeDtypeStruct((8 * N, H), jnp.float32),
    )(emb, wstk)


def _combine_body(p_ref, c_ref, yd_ref, o_ref):
    cnt = c_ref[0] + c_ref[1]
    acc = p_ref[0] + p_ref[1]
    for t in range(T):
        acc = acc + cnt[:, t:t + 1] * yd_ref[t]
    o_ref[...] = acc


def _combine(partials, cparts, ydst):
    blk = 400
    return pl.pallas_call(
        _combine_body,
        grid=(N // blk,),
        in_specs=[
            pl.BlockSpec((2, blk, H), lambda i: (0, i, 0)),
            pl.BlockSpec((2, blk, CNT_W), lambda i: (0, i, 0)),
            pl.BlockSpec((T, blk, H), lambda i: (0, i, 0)),
        ],
        out_specs=pl.BlockSpec((blk, H), lambda i: (i, 0)),
        out_shape=jax.ShapeDtypeStruct((N, H), jnp.float32),
    )(partials, cparts, ydst)


def _sc_rows(yy, g3, d3):

    @functools.partial(
        pl.kernel,
        compiler_params=_CP,
        out_type=jax.ShapeDtypeStruct((NC, ACC_ROWS, H), jnp.float32),
        mesh=_MESH,
        scratch_types=[
            pltpu.VMEM((RIDX, RB), jnp.int32),
            pltpu.VMEM((RIDX, RB), jnp.int32),
        ] + [pltpu.VMEM((RB, H), jnp.float32) for _ in range(NBUF)] + [
            pltpu.VMEM_SHARED((ACC_ROWS, H), jnp.float32),
        ] + [pltpu.SemaphoreType.DMA for _ in range(2 * NBUF)],
    )
    def k(yy_hbm, g_hbm, d_hbm, out_hbm, g_v, d_v, *rest):
        bufs = rest[:NBUF]
        acc = rest[NBUF]
        gsem = rest[NBUF + 1:NBUF + 1 + NBUF]
        ssem = rest[NBUF + 1 + NBUF:]
        cid = lax.axis_index("c")
        sid = lax.axis_index("s")
        wid = cid * NS + sid

        zero = jnp.zeros((16,), jnp.float32)

        @pl.loop(0, RB)
        def _(r):
            @pl.loop(0, H // 16)
            def _(c):
                bufs[0][r, pl.ds(c * 16, 16)] = zero

        @pl.loop(0, ROWS_PER_TILE // RB)
        def _(b):
            pltpu.sync_copy(
                bufs[0], acc.at[pl.ds(sid * ROWS_PER_TILE + b * RB, RB)]
            )

        plsc.subcore_barrier()

        def gather(j, b):
            return pltpu.make_async_copy(yy_hbm.at[g_v.at[j]], bufs[b], gsem[b])

        def scat(j, b):
            return pltpu.make_async_copy(bufs[b], acc.at[d_v.at[j]], ssem[b])

        @pl.loop(0, RNB // RIDX)
        def _(c):
            pltpu.sync_copy(g_hbm.at[wid, pl.ds(c * RIDX, RIDX)], g_v)
            pltpu.sync_copy(d_hbm.at[wid, pl.ds(c * RIDX, RIDX)], d_v)

            for j in range(NBUF):
                gather(j, j).start()
            for j in range(RIDX):
                b = j % NBUF
                if j > 0:
                    pb = (j - 1) % NBUF
                    scat(j - 1, pb).wait()
                    if j + NBUF - 1 < RIDX:
                        gather(j + NBUF - 1, pb).start()
                gather(j, b).wait()
                scat(j, b).start(add=True)
            scat(RIDX - 1, (RIDX - 1) % NBUF).wait()

        plsc.subcore_barrier()

        @pl.loop(0, ROWS_PER_TILE // BATCH)
        def _(b):
            base = sid * ROWS_PER_TILE + b * BATCH
            pltpu.sync_copy(
                acc.at[pl.ds(base, BATCH)], out_hbm.at[cid, pl.ds(base, BATCH)]
            )

    return k(yy, g3, d3)


def _sc_counts(c3, s3):

    @functools.partial(
        pl.kernel,
        compiler_params=_CP,
        out_type=jax.ShapeDtypeStruct((NC, CROWS, H), jnp.float32),
        mesh=_MESH,
        scratch_types=[
            pltpu.VMEM((IDX_CHUNK, BATCH), jnp.int32),
            pltpu.VMEM((IDX_CHUNK, BATCH), jnp.int32),
            pltpu.VMEM((BATCH, H), jnp.float32),
            pltpu.VMEM_SHARED((CROWS, H), jnp.float32),
        ],
    )
    def k(c_hbm, s_hbm, cnt_hbm, c_v, s_v, oh_v, cac):
        cid = lax.axis_index("c")
        sid = lax.axis_index("s")
        wid = cid * NS + sid

        zero = jnp.zeros((16,), jnp.float32)
        ones = jnp.ones((16,), jnp.float32)

        @pl.loop(0, BATCH)
        def _(r):
            @pl.loop(0, H // 16)
            def _(c):
                oh_v[r, pl.ds(c * 16, 16)] = zero

        pltpu.sync_copy(oh_v.at[pl.ds(0, CRPT)], cac.at[pl.ds(sid * CRPT, CRPT)])
        plsc.subcore_barrier()

        @pl.loop(0, NB // IDX_CHUNK)
        def _(c):
            pltpu.sync_copy(c_hbm.at[wid, pl.ds(c * IDX_CHUNK, IDX_CHUNK)], c_v)
            pltpu.sync_copy(s_hbm.at[wid, pl.ds(c * IDX_CHUNK, IDX_CHUNK)], s_v)

            @pl.loop(0, IDX_CHUNK)
            def _(j):
                for l in range(BATCH // 16):
                    rows = lax.iota(jnp.int32, 16) + (l * 16)
                    colv = c_v.at[j][pl.ds(l * 16, 16)]
                    plsc.addupdate_scatter(oh_v, [rows, colv], ones)
                pltpu.sync_copy(oh_v, cac.at[s_v.at[j]], add=True)
                for l in range(BATCH // 16):
                    rows = lax.iota(jnp.int32, 16) + (l * 16)
                    colv = c_v.at[j][pl.ds(l * 16, 16)]
                    plsc.addupdate_scatter(oh_v, [rows, colv], -ones)

        plsc.subcore_barrier()

        pltpu.sync_copy(cac.at[pl.ds(sid * CRPT, CRPT)],
                        cnt_hbm.at[cid, pl.ds(sid * CRPT, CRPT)])

    return k(c3, s3)


@jax.jit
def kernel(state_embedding, typed_edges, W):
    et = typed_edges[0] - 1
    src = typed_edges[1]
    dst = typed_edges[2]

    def shard(x, padval, nb, batch):
        pad = NW * nb * batch - E
        x = jnp.concatenate([x, jnp.full((pad,), padval, jnp.int32)])
        return x.reshape(nb, NW, batch).swapaxes(0, 1)

    g3 = shard(et * N + src, 0, RNB, RB)
    d3 = shard(dst, DUMP, RNB, RB)
    c3 = shard(((dst & 7) << 4) + et, 0, NB, BATCH)
    s3 = shard(dst >> 3, DUMP >> 3, NB, BATCH)

    wstk = jnp.concatenate([W[:, :, :H], W[:, :, H:]], axis=0)

    yy = _yy_matmul(state_embedding, wstk)
    cparts = _sc_counts(c3, s3)
    partials = _sc_rows(yy, g3, d3)
    ydst = yy.reshape(8, N, H)[T:]
    cnt = cparts.reshape(2, CROWS * 8, CNT_W)
    return _combine(partials, cnt, ydst)

# --- scband reference (transcript-rebuilt; emitter-appended) ---
"""Pipeline reference for scband-residual-gnnmessage-passing-70128226009226 (READ-ONLY COPY).

The authoritative reference and input builder live on the scoring server;
editing this copy changes nothing except your own understanding.
"""

import jax, jax.numpy as jnp
import numpy as np

N = 10000
E = 320000
H = 128
T = 4

def setup_inputs(seed: int = 0) -> dict:
    key = jax.random.key(seed)
    k1, k2, k3, k4, k5 = jax.random.split(key, 5)
    state_embedding = jax.random.normal(k1, (N, H), dtype=jnp.float32)
    # row 0: edge type ids in [1, T]; rows 1,2: source/target node ids in [0, N)
    etype = jax.random.randint(k2, (1, E), 1, T + 1)
    src = jax.random.randint(k3, (1, E), 0, N)
    dst = jax.random.randint(k4, (1, E), 0, N)
    typed_edges = jnp.concatenate([etype, src, dst], axis=0)
    # per-edge-type Linear(2H -> H, bias=False) weights, torch layout [H, 2H]
    W = jax.random.normal(k5, (T, H, 2 * H), dtype=jnp.float32) * (1.0 / np.sqrt(2 * H))
    return {"state_embedding": state_embedding, "typed_edges": typed_edges, "W": W}

def reference(state_embedding, typed_edges, W):
    num_types = W.shape[0]
    num_nodes = state_embedding.shape[0]
    etype = typed_edges[0, :]
    source = typed_edges[1, :]
    targets = typed_edges[2, :]
    source_states = jnp.take(state_embedding, source, axis=0)
    target_states = jnp.take(state_embedding, targets, axis=0)
    edge_states = jnp.concatenate([source_states, target_states], axis=1)
    all_messages = []
    all_targets = []
    for edge_type_id in range(1, num_types + 1):
        edge_mask = etype == edge_type_id
        per_edge_result = edge_states @ W[edge_type_id - 1].T
        masked_targets = jnp.where(edge_mask, targets, num_nodes)
        all_targets.append(masked_targets)
        all_messages.append(per_edge_result)
    all_message_targets = jnp.concatenate(all_targets, axis=0)
    all_messages = jnp.concatenate(all_messages, axis=0)
    return jax.ops.segment_sum(all_messages, all_message_targets, num_segments=num_nodes)

if __name__ == "__main__":
    import jax
    _d = setup_inputs()
    print(jax.jit(kernel)(*tuple(_d.values())))

</pallas_src>

<mosaic_0001>
#map = affine_map<(d0, d1) -> (0, 0, 0)>
module attributes {stable_mosaic.version = 14 : i64} {
  func.func @k(%arg0: i32, %arg1: i32, %arg2: memref<32x80x128xi32, #tpu.memory_space<hbm>>, %arg3: memref<32x80x128xi32, #tpu.memory_space<hbm>>, %arg4: memref<2x1280x128xf32, #tpu.memory_space<hbm>>, %arg5: memref<8x128xi32, #tpu.memory_space<vmem>>, %arg6: memref<8x128xi32, #tpu.memory_space<vmem>>, %arg7: memref<128x128xf32, #tpu.memory_space<vmem>>, %arg8: memref<1280x128xf32, #tpu.memory_space<vmem_shared>>) attributes {dimension_semantics = [#tpu.dimension_semantics<core_parallel>, #tpu.dimension_semantics<subcore_parallel>], iteration_bounds = array<i64: 2, 16>, scalar_prefetch = 0 : i64, scratch_operands = 4 : i64, tpu.core_type = #tpu.core_type<sc_vector_subcore>, window_params = [{transform_indices = #map}, {transform_indices = #map}, {transform_indices = #map}]} {
    %mul3A = arith.constant 16 : i32
    %mul3A_0 = arith.muli %arg0, %mul3A : i32
    %add3A = arith.addi %mul3A_0, %arg1 : i32
    %broadcast_in_dim3A = arith.constant 0.000000e+00 : f32
    %broadcast_in_dim3A_1 = vector.broadcast %broadcast_in_dim3A : f32 to vector<16xf32>
    %broadcast_in_dim3A_2 = arith.constant 1.000000e+00 : f32
    %broadcast_in_dim3A_3 = vector.broadcast %broadcast_in_dim3A_2 : f32 to vector<16xf32>
    %scan3A = arith.constant 0 : i32
    %scan3A_4 = arith.constant 128 : i32
    %scan3A_5 = arith.addi %scan3A, %scan3A_4 : i32
    %scan3A_6 = arith.constant 1 : i32
    scf.for %scan3A_20 = %scan3A to %scan3A_5 step %scan3A_6  : i32 {
      %mul3A_21 = arith.constant 1 : i32
      %mul3A_22 = arith.muli %scan3A_20, %mul3A_21 : i32
      %add3A_23 = arith.constant 0 : i32
      %add3A_24 = arith.addi %add3A_23, %mul3A_22 : i32
      %scan3A_25 = arith.constant 0 : i32
      %scan3A_26 = arith.constant 8 : i32
      %scan3A_27 = arith.addi %scan3A_25, %scan3A_26 : i32
      %scan3A_28 = arith.constant 1 : i32
      scf.for %scan3A_30 = %scan3A_25 to %scan3A_27 step %scan3A_28  : i32 {
        %mul3A_31 = arith.constant 1 : i32
        %mul3A_32 = arith.muli %scan3A_30, %mul3A_31 : i32
        %add3A_33 = arith.constant 0 : i32
        %add3A_34 = arith.addi %add3A_33, %mul3A_32 : i32
        %mul3A_35 = arith.constant 16 : i32
        %mul3A_36 = arith.muli %add3A_34, %mul3A_35 : i32
        %swap3A = arith.index_cast %add3A_24 : i32 to index
        %swap3A_37 = arith.index_cast %mul3A_36 : i32 to index
        %swap3A_38 = tpu.vector_load %arg7[%swap3A, %swap3A_37] {strides = array<i32>} : memref<128x128xf32, #tpu.memory_space<vmem>>, vector<16xf32>,
        tpu.vector_store %arg7[%swap3A, %swap3A_37], %broadcast_in_dim3A_1 {strides = array<i32>} : memref<128x128xf32, #tpu.memory_space<vmem>>, vector<16xf32>,
      }
      %scan3A_29 = arith.constant 8 : i32
    }
    %scan3A_7 = arith.constant 128 : i32
    %mul3A_8 = arith.constant 80 : i32
    %mul3A_9 = arith.muli %arg1, %mul3A_8 : i32
    "tpu.region"() ({
      %run_scoped3A = tpu.sem_alloc : memref<!tpu.dma_semaphore, #tpu.memory_space<semaphore_mem>>
      %dma_start3A = arith.constant 0 : i32
      %dma_start3A_20 = arith.constant 0 : i32
      %dma_start3A_21 = tpu.memref_slice %arg7[%dma_start3A, %dma_start3A_20] : memref<128x128xf32, #tpu.memory_space<vmem>> -> memref<80x128xf32, #tpu.memory_space<vmem>>
      %dma_start3A_22 = arith.constant 0 : i32
      %dma_start3A_23 = tpu.memref_slice %arg8[%mul3A_9, %dma_start3A_22] : memref<1280x128xf32, #tpu.memory_space<vmem_shared>> -> memref<80x128xf32, #tpu.memory_space<vmem_shared>>
      %dma_start3A_24 = arith.constant 0 : i32
      %dma_start3A_25 = tpu.memref_slice %arg8[%mul3A_9, %dma_start3A_24] : memref<1280x128xf32, #tpu.memory_space<vmem_shared>> -> memref<80x128xf32, #tpu.memory_space<vmem_shared>>
      %dma_start3A_26 = arith.constant 0 : i32
      %dma_start3A_27 = arith.constant 0 : i32
      %dma_start3A_28 = tpu.memref_slice %arg7[%dma_start3A_26, %dma_start3A_27] : memref<128x128xf32, #tpu.memory_space<vmem>> -> memref<80x128xf32, #tpu.memory_space<vmem>>
      tpu.enqueue_dma source(%dma_start3A_28 : memref<80x128xf32, #tpu.memory_space<vmem>>) target(%dma_start3A_25 : memref<80x128xf32, #tpu.memory_space<vmem_shared>>) target_semaphore(%run_scoped3A : memref<!tpu.dma_semaphore, #tpu.memory_space<semaphore_mem>>)
      %dma_wait3A = arith.constant 0 : i32
      %dma_wait3A_29 = arith.constant 0 : i32
      %dma_wait3A_30 = tpu.memref_slice %arg7[%dma_wait3A, %dma_wait3A_29] : memref<128x128xf32, #tpu.memory_space<vmem>> -> memref<80x128xf32, #tpu.memory_space<vmem>>
      %dma_wait3A_31 = arith.constant 0 : i32
      %dma_wait3A_32 = tpu.memref_slice %arg8[%mul3A_9, %dma_wait3A_31] : memref<1280x128xf32, #tpu.memory_space<vmem_shared>> -> memref<80x128xf32, #tpu.memory_space<vmem_shared>>
      %dma_wait3A_33 = arith.constant 0 : i32
      %dma_wait3A_34 = tpu.memref_slice %arg8[%mul3A_9, %dma_wait3A_33] : memref<1280x128xf32, #tpu.memory_space<vmem_shared>> -> memref<80x128xf32, #tpu.memory_space<vmem_shared>>
      %dma_wait3A_35 = arith.constant 0 : i32
      %dma_wait3A_36 = arith.constant 0 : i32
      %dma_wait3A_37 = tpu.memref_slice %arg7[%dma_wait3A_35, %dma_wait3A_36] : memref<128x128xf32, #tpu.memory_space<vmem>> -> memref<80x128xf32, #tpu.memory_space<vmem>>
      tpu.wait_dma2 semaphore(%run_scoped3A : memref<!tpu.dma_semaphore, #tpu.memory_space<semaphore_mem>>) src(%dma_wait3A_37 : memref<80x128xf32, #tpu.memory_space<vmem>>) dst(%dma_wait3A_34 : memref<80x128xf32, #tpu.memory_space<vmem_shared>>)
      tpu.yield
    }) : () -> ()
    %barrier3A = arith.constant 0 : index
    tpu.barrier barrier_id(%barrier3A)
    %scan3A_10 = arith.constant 0 : i32
    %scan3A_11 = arith.constant 10 : i32
    %scan3A_12 = arith.addi %scan3A_10, %scan3A_11 : i32
    %scan3A_13 = arith.constant 1 : i32
    scf.for %scan3A_20 = %scan3A_10 to %scan3A_12 step %scan3A_13  : i32 {
      %mul3A_21 = arith.constant 1 : i32
      %mul3A_22 = arith.muli %scan3A_20, %mul3A_21 : i32
      %add3A_23 = arith.constant 0 : i32
      %add3A_24 = arith.addi %add3A_23, %mul3A_22 : i32
      %mul3A_25 = arith.constant 8 : i32
      %mul3A_26 = arith.muli %add3A_24, %mul3A_25 : i32
      "tpu.region"() ({
        %run_scoped3A = tpu.sem_alloc : memref<!tpu.dma_semaphore, #tpu.memory_space<semaphore_mem>>
        %dma_start3A = arith.constant 0 : i32
        %dma_start3A_34 = tpu.memref_slice %arg2[%add3A, %mul3A_26, %dma_start3A] : memref<32x80x128xi32, #tpu.memory_space<hbm>> -> memref<1x8x128xi32, #tpu.memory_space<hbm>>
        %dma_start3A_35 = tpu.memref_squeeze %dma_start3A_34 : memref<1x8x128xi32, #tpu.memory_space<hbm>> -> memref<8x128xi32, #tpu.memory_space<hbm>>
        %dma_start3A_36 = arith.constant 0 : i32
        %dma_start3A_37 = tpu.memref_slice %arg2[%add3A, %mul3A_26, %dma_start3A_36] : memref<32x80x128xi32, #tpu.memory_space<hbm>> -> memref<1x8x128xi32, #tpu.memory_space<hbm>>
        %dma_start3A_38 = tpu.memref_squeeze %dma_start3A_37 : memref<1x8x128xi32, #tpu.memory_space<hbm>> -> memref<8x128xi32, #tpu.memory_space<hbm>>
        tpu.enqueue_dma source(%dma_start3A_38 : memref<8x128xi32, #tpu.memory_space<hbm>>) target(%arg5 : memref<8x128xi32, #tpu.memory_space<vmem>>) target_semaphore(%run_scoped3A : memref<!tpu.dma_semaphore, #tpu.memory_space<semaphore_mem>>)
        %dma_wait3A = arith.constant 0 : i32
        %dma_wait3A_39 = tpu.memref_slice %arg2[%add3A, %mul3A_26, %dma_wait3A] : memref<32x80x128xi32, #tpu.memory_space<hbm>> -> memref<1x8x128xi32, #tpu.memory_space<hbm>>
        %dma_wait3A_40 = tpu.memref_squeeze %dma_wait3A_39 : memref<1x8x128xi32, #tpu.memory_space<hbm>> -> memref<8x128xi32, #tpu.memory_space<hbm>>
        %dma_wait3A_41 = arith.constant 0 : i32
        %dma_wait3A_42 = tpu.memref_slice %arg2[%add3A, %mul3A_26, %dma_wait3A_41] : memref<32x80x128xi32, #tpu.memory_space<hbm>> -> memref<1x8x128xi32, #tpu.memory_space<hbm>>
        %dma_wait3A_43 = tpu.memref_squeeze %dma_wait3A_42 : memref<1x8x128xi32, #tpu.memory_space<hbm>> -> memref<8x128xi32, #tpu.memory_space<hbm>>
        tpu.wait_dma2 semaphore(%run_scoped3A : memref<!tpu.dma_semaphore, #tpu.memory_space<semaphore_mem>>) src(%dma_wait3A_43 : memref<8x128xi32, #tpu.memory_space<hbm>>) dst(%arg5 : memref<8x128xi32, #tpu.memory_space<vmem>>)
        tpu.yield
      }) : () -> ()
      %mul3A_27 = arith.constant 8 : i32
      %mul3A_28 = arith.muli %add3A_24, %mul3A_27 : i32
      "tpu.region"() ({
        %run_scoped3A = tpu.sem_alloc : memref<!tpu.dma_semaphore, #tpu.memory_space<semaphore_mem>>
        %dma_start3A = arith.constant 0 : i32
        %dma_start3A_34 = tpu.memref_slice %arg3[%add3A, %mul3A_28, %dma_start3A] : memref<32x80x128xi32, #tpu.memory_space<hbm>> -> memref<1x8x128xi32, #tpu.memory_space<hbm>>
        %dma_start3A_35 = tpu.memref_squeeze %dma_start3A_34 : memref<1x8x128xi32, #tpu.memory_space<hbm>> -> memref<8x128xi32, #tpu.memory_space<hbm>>
        %dma_start3A_36 = arith.constant 0 : i32
        %dma_start3A_37 = tpu.memref_slice %arg3[%add3A, %mul3A_28, %dma_start3A_36] : memref<32x80x128xi32, #tpu.memory_space<hbm>> -> memref<1x8x128xi32, #tpu.memory_space<hbm>>
        %dma_start3A_38 = tpu.memref_squeeze %dma_start3A_37 : memref<1x8x128xi32, #tpu.memory_space<hbm>> -> memref<8x128xi32, #tpu.memory_space<hbm>>
        tpu.enqueue_dma source(%dma_start3A_38 : memref<8x128xi32, #tpu.memory_space<hbm>>) target(%arg6 : memref<8x128xi32, #tpu.memory_space<vmem>>) target_semaphore(%run_scoped3A : memref<!tpu.dma_semaphore, #tpu.memory_space<semaphore_mem>>)
        %dma_wait3A = arith.constant 0 : i32
        %dma_wait3A_39 = tpu.memref_slice %arg3[%add3A, %mul3A_28, %dma_wait3A] : memref<32x80x128xi32, #tpu.memory_space<hbm>> -> memref<1x8x128xi32, #tpu.memory_space<hbm>>
        %dma_wait3A_40 = tpu.memref_squeeze %dma_wait3A_39 : memref<1x8x128xi32, #tpu.memory_space<hbm>> -> memref<8x128xi32, #tpu.memory_space<hbm>>
        %dma_wait3A_41 = arith.constant 0 : i32
        %dma_wait3A_42 = tpu.memref_slice %arg3[%add3A, %mul3A_28, %dma_wait3A_41] : memref<32x80x128xi32, #tpu.memory_space<hbm>> -> memref<1x8x128xi32, #tpu.memory_space<hbm>>
        %dma_wait3A_43 = tpu.memref_squeeze %dma_wait3A_42 : memref<1x8x128xi32, #tpu.memory_space<hbm>> -> memref<8x128xi32, #tpu.memory_space<hbm>>
        tpu.wait_dma2 semaphore(%run_scoped3A : memref<!tpu.dma_semaphore, #tpu.memory_space<semaphore_mem>>) src(%dma_wait3A_43 : memref<8x128xi32, #tpu.memory_space<hbm>>) dst(%arg6 : memref<8x128xi32, #tpu.memory_space<vmem>>)
        tpu.yield
      }) : () -> ()
      %scan3A_29 = arith.constant 0 : i32
      %scan3A_30 = arith.constant 8 : i32
      %scan3A_31 = arith.addi %scan3A_29, %scan3A_30 : i32
      %scan3A_32 = arith.constant 1 : i32
      scf.for %scan3A_34 = %scan3A_29 to %scan3A_31 step %scan3A_32  : i32 {
        %mul3A_35 = arith.constant 1 : i32
        %mul3A_36 = arith.muli %scan3A_34, %mul3A_35 : i32
        %add3A_37 = arith.constant 0 : i32
        %add3A_38 = arith.addi %add3A_37, %mul3A_36 : i32
        %iota3A = tpu.iota {dimensions = array<i32: 0>} : vector<16xi32>
        %add3A_39 = arith.constant 0 : i32
        %add3A_40 = vector.broadcast %add3A_39 : i32 to vector<16xi32>
        %add3A_41 = arith.addi %iota3A, %add3A_40 : vector<16xi32>
        %get3A = arith.constant 0 : i32
        %get3A_42 = tpu.memref_slice %arg5[%add3A_38, %get3A] : memref<8x128xi32, #tpu.memory_space<vmem>> -> memref<1x128xi32, #tpu.memory_space<vmem>>
        %get3A_43 = tpu.memref_squeeze %get3A_42 : memref<1x128xi32, #tpu.memory_space<vmem>> -> memref<128xi32, #tpu.memory_space<vmem>>
        %get3A_44 = arith.constant 0 : index
        %get3A_45 = tpu.vector_load %get3A_43[%get3A_44] {strides = array<i32>} : memref<128xi32, #tpu.memory_space<vmem>>, vector<16xi32>,
        tpu.vector_store_idx %arg7[%add3A_41, %get3A_45], %broadcast_in_dim3A_3 {add = true} : memref<128x128xf32, #tpu.memory_space<vmem>>[vector<16xi32>, vector<16xi32>], vector<16xf32>,
        %iota3A_46 = tpu.iota {dimensions = array<i32: 0>} : vector<16xi32>
        %add3A_47 = arith.constant 16 : i32
        %add3A_48 = vector.broadcast %add3A_47 : i32 to vector<16xi32>
        %add3A_49 = arith.addi %iota3A_46, %add3A_48 : vector<16xi32>
        %get3A_50 = arith.constant 0 : i32
        %get3A_51 = tpu.memref_slice %arg5[%add3A_38, %get3A_50] : memref<8x128xi32, #tpu.memory_space<vmem>> -> memref<1x128xi32, #tpu.memory_space<vmem>>
        %get3A_52 = tpu.memref_squeeze %get3A_51 : memref<1x128xi32, #tpu.memory_space<vmem>> -> memref<128xi32, #tpu.memory_space<vmem>>
        %get3A_53 = arith.constant 16 : index
        %get3A_54 = tpu.vector_load %get3A_52[%get3A_53] {strides = array<i32>} : memref<128xi32, #tpu.memory_space<vmem>>, vector<16xi32>,
        tpu.vector_store_idx %arg7[%add3A_49, %get3A_54], %broadcast_in_dim3A_3 {add = true} : memref<128x128xf32, #tpu.memory_space<vmem>>[vector<16xi32>, vector<16xi32>], vector<16xf32>,
        %iota3A_55 = tpu.iota {dimensions = array<i32: 0>} : vector<16xi32>
        %add3A_56 = arith.constant 32 : i32
        %add3A_57 = vector.broadcast %add3A_56 : i32 to vector<16xi32>
        %add3A_58 = arith.addi %iota3A_55, %add3A_57 : vector<16xi32>
        %get3A_59 = arith.constant 0 : i32
        %get3A_60 = tpu.memref_slice %arg5[%add3A_38, %get3A_59] : memref<8x128xi32, #tpu.memory_space<vmem>> -> memref<1x128xi32, #tpu.memory_space<vmem>>
        %get3A_61 = tpu.memref_squeeze %get3A_60 : memref<1x128xi32, #tpu.memory_space<vmem>> -> memref<128xi32, #tpu.memory_space<vmem>>
        %get3A_62 = arith.constant 32 : index
        %get3A_63 = tpu.vector_load %get3A_61[%get3A_62] {strides = array<i32>} : memref<128xi32, #tpu.memory_space<vmem>>, vector<16xi32>,
        tpu.vector_store_idx %arg7[%add3A_58, %get3A_63], %broadcast_in_dim3A_3 {add = true} : memref<128x128xf32, #tpu.memory_space<vmem>>[vector<16xi32>, vector<16xi32>], vector<16xf32>,
        %iota3A_64 = tpu.iota {dimensions = array<i32: 0>} : vector<16xi32>
        %add3A_65 = arith.constant 48 : i32
        %add3A_66 = vector.broadcast %add3A_65 : i32 to vector<16xi32>
        %add3A_67 = arith.addi %iota3A_64, %add3A_66 : vector<16xi32>
        %get3A_68 = arith.constant 0 : i32
        %get3A_69 = tpu.memref_slice %arg5[%add3A_38, %get3A_68] : memref<8x128xi32, #tpu.memory_space<vmem>> -> memref<1x128xi32, #tpu.memory_space<vmem>>
        %get3A_70 = tpu.memref_squeeze %get3A_69 : memref<1x128xi32, #tpu.memory_space<vmem>> -> memref<128xi32, #tpu.memory_space<vmem>>
        %get3A_71 = arith.constant 48 : index
        %get3A_72 = tpu.vector_load %get3A_70[%get3A_71] {strides = array<i32>} : memref<128xi32, #tpu.memory_space<vmem>>, vector<16xi32>,
        tpu.vector_store_idx %arg7[%add3A_67, %get3A_72], %broadcast_in_dim3A_3 {add = true} : memref<128x128xf32, #tpu.memory_space<vmem>>[vector<16xi32>, vector<16xi32>], vector<16xf32>,
        %iota3A_73 = tpu.iota {dimensions = array<i32: 0>} : vector<16xi32>
        %add3A_74 = arith.constant 64 : i32
        %add3A_75 = vector.broadcast %add3A_74 : i32 to vector<16xi32>
        %add3A_76 = arith.addi %iota3A_73, %add3A_75 : vector<16xi32>
        %get3A_77 = arith.constant 0 : i32
        %get3A_78 = tpu.memref_slice %arg5[%add3A_38, %get3A_77] : memref<8x128xi32, #tpu.memory_space<vmem>> -> memref<1x128xi32, #tpu.memory_space<vmem>>
        %get3A_79 = tpu.memref_squeeze %get3A_78 : memref<1x128xi32, #tpu.memory_space<vmem>> -> memref<128xi32, #tpu.memory_space<vmem>>
        %get3A_80 = arith.constant 64 : index
        %get3A_81 = tpu.vector_load %get3A_79[%get3A_80] {strides = array<i32>} : memref<128xi32, #tpu.memory_space<vmem>>, vector<16xi32>,
        tpu.vector_store_idx %arg7[%add3A_76, %get3A_81], %broadcast_in_dim3A_3 {add = true} : memref<128x128xf32, #tpu.memory_space<vmem>>[vector<16xi32>, vector<16xi32>], vector<16xf32>,
        %iota3A_82 = tpu.iota {dimensions = array<i32: 0>} : vector<16xi32>
        %add3A_83 = arith.constant 80 : i32
        %add3A_84 = vector.broadcast %add3A_83 : i32 to vector<16xi32>
        %add3A_85 = arith.addi %iota3A_82, %add3A_84 : vector<16xi32>
        %get3A_86 = arith.constant 0 : i32
        %get3A_87 = tpu.memref_slice %arg5[%add3A_38, %get3A_86] : memref<8x128xi32, #tpu.memory_space<vmem>> -> memref<1x128xi32, #tpu.memory_space<vmem>>
        %get3A_88 = tpu.memref_squeeze %get3A_87 : memref<1x128xi32, #tpu.memory_space<vmem>> -> memref<128xi32, #tpu.memory_space<vmem>>
        %get3A_89 = arith.constant 80 : index
        %get3A_90 = tpu.vector_load %get3A_88[%get3A_89] {strides = array<i32>} : memref<128xi32, #tpu.memory_space<vmem>>, vector<16xi32>,
        tpu.vector_store_idx %arg7[%add3A_85, %get3A_90], %broadcast_in_dim3A_3 {add = true} : memref<128x128xf32, #tpu.memory_space<vmem>>[vector<16xi32>, vector<16xi32>], vector<16xf32>,
        %iota3A_91 = tpu.iota {dimensions = array<i32: 0>} : vector<16xi32>
        %add3A_92 = arith.constant 96 : i32
        %add3A_93 = vector.broadcast %add3A_92 : i32 to vector<16xi32>
        %add3A_94 = arith.addi %iota3A_91, %add3A_93 : vector<16xi32>
        %get3A_95 = arith.constant 0 : i32
        %get3A_96 = tpu.memref_slice %arg5[%add3A_38, %get3A_95] : memref<8x128xi32, #tpu.memory_space<vmem>> -> memref<1x128xi32, #tpu.memory_space<vmem>>
        %get3A_97 = tpu.memref_squeeze %get3A_96 : memref<1x128xi32, #tpu.memory_space<vmem>> -> memref<128xi32, #tpu.memory_space<vmem>>
        %get3A_98 = arith.constant 96 : index
        %get3A_99 = tpu.vector_load %get3A_97[%get3A_98] {strides = array<i32>} : memref<128xi32, #tpu.memory_space<vmem>>, vector<16xi32>,
        tpu.vector_store_idx %arg7[%add3A_94, %get3A_99], %broadcast_in_dim3A_3 {add = true} : memref<128x128xf32, #tpu.memory_space<vmem>>[vector<16xi32>, vector<16xi32>], vector<16xf32>,
        %iota3A_100 = tpu.iota {dimensions = array<i32: 0>} : vector<16xi32>
        %add3A_101 = arith.constant 112 : i32
        %add3A_102 = vector.broadcast %add3A_101 : i32 to vector<16xi32>
        %add3A_103 = arith.addi %iota3A_100, %add3A_102 : vector<16xi32>
        %get3A_104 = arith.constant 0 : i32
        %get3A_105 = tpu.memref_slice %arg5[%add3A_38, %get3A_104] : memref<8x128xi32, #tpu.memory_space<vmem>> -> memref<1x128xi32, #tpu.memory_space<vmem>>
        %get3A_106 = tpu.memref_squeeze %get3A_105 : memref<1x128xi32, #tpu.memory_space<vmem>> -> memref<128xi32, #tpu.memory_space<vmem>>
        %get3A_107 = arith.constant 112 : index
        %get3A_108 = tpu.vector_load %get3A_106[%get3A_107] {strides = array<i32>} : memref<128xi32, #tpu.memory_space<vmem>>, vector<16xi32>,
        tpu.vector_store_idx %arg7[%add3A_103, %get3A_108], %broadcast_in_dim3A_3 {add = true} : memref<128x128xf32, #tpu.memory_space<vmem>>[vector<16xi32>, vector<16xi32>], vector<16xf32>,
        "tpu.region"() ({
          %run_scoped3A = tpu.sem_alloc : memref<!tpu.dma_semaphore, #tpu.memory_space<semaphore_mem>>
          %dma_start3A = arith.constant 0 : i32
          %dma_start3A_204 = tpu.memref_slice %arg6[%add3A_38, %dma_start3A] : memref<8x128xi32, #tpu.memory_space<vmem>> -> memref<1x128xi32, #tpu.memory_space<vmem>>
          %dma_start3A_205 = tpu.memref_squeeze %dma_start3A_204 : memref<1x128xi32, #tpu.memory_space<vmem>> -> memref<128xi32, #tpu.memory_space<vmem>>
          %dma_start3A_206 = arith.constant 0 : i32
          %dma_start3A_207 = arith.constant 0 : i32
          %dma_start3A_208 = tpu.memref_slice %arg8[%dma_start3A_206, %dma_start3A_207] : memref<1280x128xf32, #tpu.memory_space<vmem_shared>> -> memref<1280x128xf32, #tpu.memory_space<vmem_shared>>
          tpu.enqueue_indirect_dma source(%arg7 : memref<128x128xf32, #tpu.memory_space<vmem>>) target(%dma_start3A_208 : memref<1280x128xf32, #tpu.memory_space<vmem_shared>>) offsets(%dma_start3A_205 : memref<128xi32, #tpu.memory_space<vmem>>) semaphore(%run_scoped3A : memref<!tpu.dma_semaphore, #tpu.memory_space<semaphore_mem>>) {add = true}
          %dma_wait3A = arith.constant 0 : i32
          %dma_wait3A_209 = tpu.memref_slice %arg6[%add3A_38, %dma_wait3A] : memref<8x128xi32, #tpu.memory_space<vmem>> -> memref<1x128xi32, #tpu.memory_space<vmem>>
          %dma_wait3A_210 = tpu.memref_squeeze %dma_wait3A_209 : memref<1x128xi32, #tpu.memory_space<vmem>> -> memref<128xi32, #tpu.memory_space<vmem>>
          %dma_wait3A_211 = arith.constant 0 : i32
          %dma_wait3A_212 = arith.constant 0 : i32
          %dma_wait3A_213 = tpu.memref_slice %arg8[%dma_wait3A_211, %dma_wait3A_212] : memref<1280x128xf32, #tpu.memory_space<vmem_shared>> -> memref<1280x128xf32, #tpu.memory_space<vmem_shared>>
          tpu.wait_indirect_dma semaphore(%run_scoped3A : memref<!tpu.dma_semaphore, #tpu.memory_space<semaphore_mem>>) src(%arg7 : memref<128x128xf32, #tpu.memory_space<vmem>>) dst(%dma_wait3A_213 : memref<1280x128xf32, #tpu.memory_space<vmem_shared>>)
          tpu.yield
        }) : () -> ()
        %iota3A_109 = tpu.iota {dimensions = array<i32: 0>} : vector<16xi32>
        %add3A_110 = arith.constant 0 : i32
        %add3A_111 = vector.broadcast %add3A_110 : i32 to vector<16xi32>
        %add3A_112 = arith.addi %iota3A_109, %add3A_111 : vector<16xi32>
        %get3A_113 = arith.constant 0 : i32
        %get3A_114 = tpu.memref_slice %arg5[%add3A_38, %get3A_113] : memref<8x128xi32, #tpu.memory_space<vmem>> -> memref<1x128xi32, #tpu.memory_space<vmem>>
        %get3A_115 = tpu.memref_squeeze %get3A_114 : memref<1x128xi32, #tpu.memory_space<vmem>> -> memref<128xi32, #tpu.memory_space<vmem>>
        %get3A_116 = arith.constant 0 : index
        %get3A_117 = tpu.vector_load %get3A_115[%get3A_116] {strides = array<i32>} : memref<128xi32, #tpu.memory_space<vmem>>, vector<16xi32>,
        %neg3A = arith.constant 0.000000e+00 : f32
        %neg3A_118 = vector.broadcast %neg3A : f32 to vector<16xf32>
        %neg3A_119 = arith.subf %neg3A_118, %broadcast_in_dim3A_3 : vector<16xf32>
        tpu.vector_store_idx %arg7[%add3A_112, %get3A_117], %neg3A_119 {add = true} : memref<128x128xf32, #tpu.memory_space<vmem>>[vector<16xi32>, vector<16xi32>], vector<16xf32>,
        %iota3A_120 = tpu.iota {dimensions = array<i32: 0>} : vector<16xi32>
        %add3A_121 = arith.constant 16 : i32
        %add3A_122 = vector.broadcast %add3A_121 : i32 to vector<16xi32>
        %add3A_123 = arith.addi %iota3A_120, %add3A_122 : vector<16xi32>
        %get3A_124 = arith.constant 0 : i32
        %get3A_125 = tpu.memref_slice %arg5[%add3A_38, %get3A_124] : memref<8x128xi32, #tpu.memory_space<vmem>> -> memref<1x128xi32, #tpu.memory_space<vmem>>
        %get3A_126 = tpu.memref_squeeze %get3A_125 : memref<1x128xi32, #tpu.memory_space<vmem>> -> memref<128xi32, #tpu.memory_space<vmem>>
        %get3A_127 = arith.constant 16 : index
        %get3A_128 = tpu.vector_load %get3A_126[%get3A_127] {strides = array<i32>} : memref<128xi32, #tpu.memory_space<vmem>>, vector<16xi32>,
        %neg3A_129 = arith.constant 0.000000e+00 : f32
        %neg3A_130 = vector.broadcast %neg3A_129 : f32 to vector<16xf32>
        %neg3A_131 = arith.subf %neg3A_130, %broadcast_in_dim3A_3 : vector<16xf32>
        tpu.vector_store_idx %arg7[%add3A_123, %get3A_128], %neg3A_131 {add = true} : memref<128x128xf32, #tpu.memory_space<vmem>>[vector<16xi32>, vector<16xi32>], vector<16xf32>,
        %iota3A_132 = tpu.iota {dimensions = array<i32: 0>} : vector<16xi32>
        %add3A_133 = arith.constant 32 : i32
        %add3A_134 = vector.broadcast %add3A_133 : i32 to vector<16xi32>
        %add3A_135 = arith.addi %iota3A_132, %add3A_134 : vector<16xi32>
        %get3A_136 = arith.constant 0 : i32
        %get3A_137 = tpu.memref_slice %arg5[%add3A_38, %get3A_136] : memref<8x128xi32, #tpu.memory_space<vmem>> -> memref<1x128xi32, #tpu.memory_space<vmem>>
        %get3A_138 = tpu.memref_squeeze %get3A_137 : memref<1x128xi32, #tpu.memory_space<vmem>> -> memref<128xi32, #tpu.memory_space<vmem>>
        %get3A_139 = arith.constant 32 : index
        %get3A_140 = tpu.vector_load %get3A_138[%get3A_139] {strides = array<i32>} : memref<128xi32, #tpu.memory_space<vmem>>, vector<16xi32>,
        %neg3A_141 = arith.constant 0.000000e+00 : f32
        %neg3A_142 = vector.broadcast %neg3A_141 : f32 to vector<16xf32>
        %neg3A_143 = arith.subf %neg3A_142, %broadcast_in_dim3A_3 : vector<16xf32>
        tpu.vector_store_idx %arg7[%add3A_135, %get3A_140], %neg3A_143 {add = true} : memref<128x128xf32, #tpu.memory_space<vmem>>[vector<16xi32>, vector<16xi32>], vector<16xf32>,
        %iota3A_144 = tpu.iota {dimensions = array<i32: 0>} : vector<16xi32>
        %add3A_145 = arith.constant 48 : i32
        %add3A_146 = vector.broadcast %add3A_145 : i32 to vector<16xi32>
        %add3A_147 = arith.addi %iota3A_144, %add3A_146 : vector<16xi32>
        %get3A_148 = arith.constant 0 : i32
        %get3A_149 = tpu.memref_slice %arg5[%add3A_38, %get3A_148] : memref<8x128xi32, #tpu.memory_space<vmem>> -> memref<1x128xi32, #tpu.memory_space<vmem>>
        %get3A_150 = tpu.memref_squeeze %get3A_149 : memref<1x128xi32, #tpu.memory_space<vmem>> -> memref<128xi32, #tpu.memory_space<vmem>>
        %get3A_151 = arith.constant 48 : index
        %get3A_152 = tpu.vector_load %get3A_150[%get3A_151] {strides = array<i32>} : memref<128xi32, #tpu.memory_space<vmem>>, vector<16xi32>,
        %neg3A_153 = arith.constant 0.000000e+00 : f32
        %neg3A_154 = vector.broadcast %neg3A_153 : f32 to vector<16xf32>
        %neg3A_155 = arith.subf %neg3A_154, %broadcast_in_dim3A_3 : vector<16xf32>
        tpu.vector_store_idx %arg7[%add3A_147, %get3A_152], %neg3A_155 {add = true} : memref<128x128xf32, #tpu.memory_space<vmem>>[vector<16xi32>, vector<16xi32>], vector<16xf32>,
        %iota3A_156 = tpu.iota {dimensions = array<i32: 0>} : vector<16xi32>
        %add3A_157 = arith.constant 64 : i32
        %add3A_158 = vector.broadcast %add3A_157 : i32 to vector<16xi32>
        %add3A_159 = arith.addi %iota3A_156, %add3A_158 : vector<16xi32>
        %get3A_160 = arith.constant 0 : i32
        %get3A_161 = tpu.memref_slice %arg5[%add3A_38, %get3A_160] : memref<8x128xi32, #tpu.memory_space<vmem>> -> memref<1x128xi32, #tpu.memory_space<vmem>>
        %get3A_162 = tpu.memref_squeeze %get3A_161 : memref<1x128xi32, #tpu.memory_space<vmem>> -> memref<128xi32, #tpu.memory_space<vmem>>
        %get3A_163 = arith.constant 64 : index
        %get3A_164 = tpu.vector_load %get3A_162[%get3A_163] {strides = array<i32>} : memref<128xi32, #tpu.memory_space<vmem>>, vector<16xi32>,
        %neg3A_165 = arith.constant 0.000000e+00 : f32
        %neg3A_166 = vector.broadcast %neg3A_165 : f32 to vector<16xf32>
        %neg3A_167 = arith.subf %neg3A_166, %broadcast_in_dim3A_3 : vector<16xf32>
        tpu.vector_store_idx %arg7[%add3A_159, %get3A_164], %neg3A_167 {add = true} : memref<128x128xf32, #tpu.memory_space<vmem>>[vector<16xi32>, vector<16xi32>], vector<16xf32>,
        %iota3A_168 = tpu.iota {dimensions = array<i32: 0>} : vector<16xi32>
        %add3A_169 = arith.constant 80 : i32
        %add3A_170 = vector.broadcast %add3A_169 : i32 to vector<16xi32>
        %add3A_171 = arith.addi %iota3A_168, %add3A_170 : vector<16xi32>
        %get3A_172 = arith.constant 0 : i32
        %get3A_173 = tpu.memref_slice %arg5[%add3A_38, %get3A_172] : memref<8x128xi32, #tpu.memory_space<vmem>> -> memref<1x128xi32, #tpu.memory_space<vmem>>
        %get3A_174 = tpu.memref_squeeze %get3A_173 : memref<1x128xi32, #tpu.memory_space<vmem>> -> memref<128xi32, #tpu.memory_space<vmem>>
        %get3A_175 = arith.constant 80 : index
        %get3A_176 = tpu.vector_load %get3A_174[%get3A_175] {strides = array<i32>} : memref<128xi32, #tpu.memory_space<vmem>>, vector<16xi32>,
        %neg3A_177 = arith.constant 0.000000e+00 : f32
        %neg3A_178 = vector.broadcast %neg3A_177 : f32 to vector<16xf32>
        %neg3A_179 = arith.subf %neg3A_178, %broadcast_in_dim3A_3 : vector<16xf32>
        tpu.vector_store_idx %arg7[%add3A_171, %get3A_176], %neg3A_179 {add = true} : memref<128x128xf32, #tpu.memory_space<vmem>>[vector<16xi32>, vector<16xi32>], vector<16xf32>,
        %iota3A_180 = tpu.iota {dimensions = array<i32: 0>} : vector<16xi32>
        %add3A_181 = arith.constant 96 : i32
        %add3A_182 = vector.broadcast %add3A_181 : i32 to vector<16xi32>
        %add3A_183 = arith.addi %iota3A_180, %add3A_182 : vector<16xi32>
        %get3A_184 = arith.constant 0 : i32
        %get3A_185 = tpu.memref_slice %arg5[%add3A_38, %get3A_184] : memref<8x128xi32, #tpu.memory_space<vmem>> -> memref<1x128xi32, #tpu.memory_space<vmem>>
        %get3A_186 = tpu.memref_squeeze %get3A_185 : memref<1x128xi32, #tpu.memory_space<vmem>> -> memref<128xi32, #tpu.memory_space<vmem>>
        %get3A_187 = arith.constant 96 : index
        %get3A_188 = tpu.vector_load %get3A_186[%get3A_187] {strides = array<i32>} : memref<128xi32, #tpu.memory_space<vmem>>, vector<16xi32>,
        %neg3A_189 = arith.constant 0.000000e+00 : f32
        %neg3A_190 = vector.broadcast %neg3A_189 : f32 to vector<16xf32>
        %neg3A_191 = arith.subf %neg3A_190, %broadcast_in_dim3A_3 : vector<16xf32>
        tpu.vector_store_idx %arg7[%add3A_183, %get3A_188], %neg3A_191 {add = true} : memref<128x128xf32, #tpu.memory_space<vmem>>[vector<16xi32>, vector<16xi32>], vector<16xf32>,
        %iota3A_192 = tpu.iota {dimensions = array<i32: 0>} : vector<16xi32>
        %add3A_193 = arith.constant 112 : i32
        %add3A_194 = vector.broadcast %add3A_193 : i32 to vector<16xi32>
        %add3A_195 = arith.addi %iota3A_192, %add3A_194 : vector<16xi32>
        %get3A_196 = arith.constant 0 : i32
        %get3A_197 = tpu.memref_slice %arg5[%add3A_38, %get3A_196] : memref<8x128xi32, #tpu.memory_space<vmem>> -> memref<1x128xi32, #tpu.memory_space<vmem>>
        %get3A_198 = tpu.memref_squeeze %get3A_197 : memref<1x128xi32, #tpu.memory_space<vmem>> -> memref<128xi32, #tpu.memory_space<vmem>>
        %get3A_199 = arith.constant 112 : index
        %get3A_200 = tpu.vector_load %get3A_198[%get3A_199] {strides = array<i32>} : memref<128xi32, #tpu.memory_space<vmem>>, vector<16xi32>,
        %neg3A_201 = arith.constant 0.000000e+00 : f32
        %neg3A_202 = vector.broadcast %neg3A_201 : f32 to vector<16xf32>
        %neg3A_203 = arith.subf %neg3A_202, %broadcast_in_dim3A_3 : vector<16xf32>
        tpu.vector_store_idx %arg7[%add3A_195, %get3A_200], %neg3A_203 {add = true} : memref<128x128xf32, #tpu.memory_space<vmem>>[vector<16xi32>, vector<16xi32>], vector<16xf32>,
      }
      %scan3A_33 = arith.constant 8 : i32
    }
    %scan3A_14 = arith.constant 10 : i32
    %barrier3A_15 = arith.constant 0 : index
    tpu.barrier barrier_id(%barrier3A_15)
    %mul3A_16 = arith.constant 80 : i32
    %mul3A_17 = arith.muli %arg1, %mul3A_16 : i32
    %mul3A_18 = arith.constant 80 : i32
    %mul3A_19 = arith.muli %arg1, %mul3A_18 : i32
    "tpu.region"() ({
      %run_scoped3A = tpu.sem_alloc : memref<!tpu.dma_semaphore, #tpu.memory_space<semaphore_mem>>
      %dma_start3A = arith.constant 0 : i32
      %dma_start3A_20 = tpu.memref_slice %arg4[%arg0, %mul3A_19, %dma_start3A] : memref<2x1280x128xf32, #tpu.memory_space<hbm>> -> memref<1x80x128xf32, #tpu.memory_space<hbm>>
      %dma_start3A_21 = tpu.memref_squeeze %dma_start3A_20 : memref<1x80x128xf32, #tpu.memory_space<hbm>> -> memref<80x128xf32, #tpu.memory_space<hbm>>
      %dma_start3A_22 = arith.constant 0 : i32
      %dma_start3A_23 = tpu.memref_slice %arg8[%mul3A_17, %dma_start3A_22] : memref<1280x128xf32, #tpu.memory_space<vmem_shared>> -> memref<80x128xf32, #tpu.memory_space<vmem_shared>>
      tpu.enqueue_dma source(%dma_start3A_23 : memref<80x128xf32, #tpu.memory_space<vmem_shared>>) target(%dma_start3A_21 : memref<80x128xf32, #tpu.memory_space<hbm>>) target_semaphore(%run_scoped3A : memref<!tpu.dma_semaphore, #tpu.memory_space<semaphore_mem>>)
      %dma_wait3A = arith.constant 0 : i32
      %dma_wait3A_24 = tpu.memref_slice %arg4[%arg0, %mul3A_19, %dma_wait3A] : memref<2x1280x128xf32, #tpu.memory_space<hbm>> -> memref<1x80x128xf32, #tpu.memory_space<hbm>>
      %dma_wait3A_25 = tpu.memref_squeeze %dma_wait3A_24 : memref<1x80x128xf32, #tpu.memory_space<hbm>> -> memref<80x128xf32, #tpu.memory_space<hbm>>
      %dma_wait3A_26 = arith.constant 0 : i32
      %dma_wait3A_27 = tpu.memref_slice %arg8[%mul3A_17, %dma_wait3A_26] : memref<1280x128xf32, #tpu.memory_space<vmem_shared>> -> memref<80x128xf32, #tpu.memory_space<vmem_shared>>
      tpu.wait_dma2 semaphore(%run_scoped3A : memref<!tpu.dma_semaphore, #tpu.memory_space<semaphore_mem>>) src(%dma_wait3A_27 : memref<80x128xf32, #tpu.memory_space<vmem_shared>>) dst(%dma_wait3A_25 : memref<80x128xf32, #tpu.memory_space<hbm>>)
      tpu.yield
    }) : () -> ()
    return
  }
}

#map = affine_map<(d0, d1) -> (0, 0)>
#map1 = affine_map<(d0, d1) -> (0, 0, 0)>
module attributes {stable_mosaic.version = 14 : i64} {
  func.func @k(%arg0: i32, %arg1: i32, %arg2: memref<80000x128xf32, #tpu.memory_space<hbm>>, %arg3: memref<32x160x64xi32, #tpu.memory_space<hbm>>, %arg4: memref<32x160x64xi32, #tpu.memory_space<hbm>>, %arg5: memref<2x10240x128xf32, #tpu.memory_space<hbm>>, %arg6: memref<16x64xi32, #tpu.memory_space<vmem>>, %arg7: memref<16x64xi32, #tpu.memory_space<vmem>>, %arg8: memref<64x128xf32, #tpu.memory_space<vmem>>, %arg9: memref<64x128xf32, #tpu.memory_space<vmem>>, %arg10: memref<64x128xf32, #tpu.memory_space<vmem>>, %arg11: memref<64x128xf32, #tpu.memory_space<vmem>>, %arg12: memref<10240x128xf32, #tpu.memory_space<vmem_shared>>, %arg13: memref<!tpu.dma_semaphore, #tpu.memory_space<semaphore_mem>>, %arg14: memref<!tpu.dma_semaphore, #tpu.memory_space<semaphore_mem>>, %arg15: memref<!tpu.dma_semaphore, #tpu.memory_space<semaphore_mem>>, %arg16: memref<!tpu.dma_semaphore, #tpu.memory_space<semaphore_mem>>, %arg17: memref<!tpu.dma_semaphore, #tpu.memory_space<semaphore_mem>>, %arg18: memref<!tpu.dma_semaphore, #tpu.memory_space<semaphore_mem>>, %arg19: memref<!tpu.dma_semaphore, #tpu.memory_space<semaphore_mem>>, %arg20: memref<!tpu.dma_semaphore, #tpu.memory_space<semaphore_mem>>) attributes {dimension_semantics = [#tpu.dimension_semantics<core_parallel>, #tpu.dimension_semantics<subcore_parallel>], iteration_bounds = array<i64: 2, 16>, scalar_prefetch = 0 : i64, scratch_operands = 15 : i64, tpu.core_type = #tpu.core_type<sc_vector_subcore>, window_params = [{transform_indices = #map}, {transform_indices = #map1}, {transform_indices = #map1}, {transform_indices = #map1}]} {
    %mul3A = arith.constant 16 : i32
    %mul3A_0 = arith.muli %arg0, %mul3A : i32
    %add3A = arith.addi %mul3A_0, %arg1 : i32
    %broadcast_in_dim3A = arith.constant 0.000000e+00 : f32
    %broadcast_in_dim3A_1 = vector.broadcast %broadcast_in_dim3A : f32 to vector<16xf32>
    %scan3A = arith.constant 0 : i32
    %scan3A_2 = arith.constant 64 : i32
    %scan3A_3 = arith.addi %scan3A, %scan3A_2 : i32
    %scan3A_4 = arith.constant 1 : i32
    scf.for %scan3A_22 = %scan3A to %scan3A_3 step %scan3A_4  : i32 {
      %mul3A_23 = arith.constant 1 : i32
      %mul3A_24 = arith.muli %scan3A_22, %mul3A_23 : i32
      %add3A_25 = arith.constant 0 : i32
      %add3A_26 = arith.addi %add3A_25, %mul3A_24 : i32
      %scan3A_27 = arith.constant 0 : i32
      %scan3A_28 = arith.constant 8 : i32
      %scan3A_29 = arith.addi %scan3A_27, %scan3A_28 : i32
      %scan3A_30 = arith.constant 1 : i32
      scf.for %scan3A_32 = %scan3A_27 to %scan3A_29 step %scan3A_30  : i32 {
        %mul3A_33 = arith.constant 1 : i32
        %mul3A_34 = arith.muli %scan3A_32, %mul3A_33 : i32
        %add3A_35 = arith.constant 0 : i32
        %add3A_36 = arith.addi %add3A_35, %mul3A_34 : i32
        %mul3A_37 = arith.constant 16 : i32
        %mul3A_38 = arith.muli %add3A_36, %mul3A_37 : i32
        %swap3A = arith.index_cast %add3A_26 : i32 to index
        %swap3A_39 = arith.index_cast %mul3A_38 : i32 to index
        %swap3A_40 = tpu.vector_load %arg8[%swap3A, %swap3A_39] {strides = array<i32>} : memref<64x128xf32, #tpu.memory_space<vmem>>, vector<16xf32>,
        tpu.vector_store %arg8[%swap3A, %swap3A_39], %broadcast_in_dim3A_1 {strides = array<i32>} : memref<64x128xf32, #tpu.memory_space<vmem>>, vector<16xf32>,
      }
      %scan3A_31 = arith.constant 8 : i32
    }
    %scan3A_5 = arith.constant 64 : i32
    %scan3A_6 = arith.constant 0 : i32
    %scan3A_7 = arith.constant 10 : i32
    %scan3A_8 = arith.addi %scan3A_6, %scan3A_7 : i32
    %scan3A_9 = arith.constant 1 : i32
    scf.for %scan3A_22 = %scan3A_6 to %scan3A_8 step %scan3A_9  : i32 {
      %mul3A_23 = arith.constant 1 : i32
      %mul3A_24 = arith.muli %scan3A_22, %mul3A_23 : i32
      %add3A_25 = arith.constant 0 : i32
      %add3A_26 = arith.addi %add3A_25, %mul3A_24 : i32
      %mul3A_27 = arith.constant 640 : i32
      %mul3A_28 = arith.muli %arg1, %mul3A_27 : i32
      %mul3A_29 = arith.constant 64 : i32
      %mul3A_30 = arith.muli %add3A_26, %mul3A_29 : i32
      %add3A_31 = arith.addi %mul3A_28, %mul3A_30 : i32
      "tpu.region"() ({
        %run_scoped3A = tpu.sem_alloc : memref<!tpu.dma_semaphore, #tpu.memory_space<semaphore_mem>>
        %dma_start3A = arith.constant 0 : i32
        %dma_start3A_32 = tpu.memref_slice %arg12[%add3A_31, %dma_start3A] : memref<10240x128xf32, #tpu.memory_space<vmem_shared>> -> memref<64x128xf32, #tpu.memory_space<vmem_shared>>
        %dma_start3A_33 = arith.constant 0 : i32
        %dma_start3A_34 = tpu.memref_slice %arg12[%add3A_31, %dma_start3A_33] : memref<10240x128xf32, #tpu.memory_space<vmem_shared>> -> memref<64x128xf32, #tpu.memory_space<vmem_shared>>
        tpu.enqueue_dma source(%arg8 : memref<64x128xf32, #tpu.memory_space<vmem>>) target(%dma_start3A_34 : memref<64x128xf32, #tpu.memory_space<vmem_shared>>) target_semaphore(%run_scoped3A : memref<!tpu.dma_semaphore, #tpu.memory_space<semaphore_mem>>)
        %dma_wait3A = arith.constant 0 : i32
        %dma_wait3A_35 = tpu.memref_slice %arg12[%add3A_31, %dma_wait3A] : memref<10240x128xf32, #tpu.memory_space<vmem_shared>> -> memref<64x128xf32, #tpu.memory_space<vmem_shared>>
        %dma_wait3A_36 = arith.constant 0 : i32
        %dma_wait3A_37 = tpu.memref_slice %arg12[%add3A_31, %dma_wait3A_36] : memref<10240x128xf32, #tpu.memory_space<vmem_shared>> -> memref<64x128xf32, #tpu.memory_space<vmem_shared>>
        tpu.wait_dma2 semaphore(%run_scoped3A : memref<!tpu.dma_semaphore, #tpu.memory_space<semaphore_mem>>) src(%arg8 : memref<64x128xf32, #tpu.memory_space<vmem>>) dst(%dma_wait3A_37 : memref<64x128xf32, #tpu.memory_space<vmem_shared>>)
        tpu.yield
      }) : () -> ()
    }
    %scan3A_10 = arith.constant 10 : i32
    %barrier3A = arith.constant 0 : index
    tpu.barrier barrier_id(%barrier3A)
    %scan3A_11 = arith.constant 0 : i32
    %scan3A_12 = arith.constant 10 : i32
    %scan3A_13 = arith.addi %scan3A_11, %scan3A_12 : i32
    %scan3A_14 = arith.constant 1 : i32
    scf.for %scan3A_22 = %scan3A_11 to %scan3A_13 step %scan3A_14  : i32 {
      %mul3A_23 = arith.constant 1 : i32
      %mul3A_24 = arith.muli %scan3A_22, %mul3A_23 : i32
      %add3A_25 = arith.constant 0 : i32
      %add3A_26 = arith.addi %add3A_25, %mul3A_24 : i32
      %mul3A_27 = arith.constant 16 : i32
      %mul3A_28 = arith.muli %add3A_26, %mul3A_27 : i32
      "tpu.region"() ({
        %run_scoped3A = tpu.sem_alloc : memref<!tpu.dma_semaphore, #tpu.memory_space<semaphore_mem>>
        %dma_start3A_477 = arith.constant 0 : i32
        %dma_start3A_478 = tpu.memref_slice %arg3[%add3A, %mul3A_28, %dma_start3A_477] : memref<32x160x64xi32, #tpu.memory_space<hbm>> -> memref<1x16x64xi32, #tpu.memory_space<hbm>>
        %dma_start3A_479 = tpu.memref_squeeze %dma_start3A_478 : memref<1x16x64xi32, #tpu.memory_space<hbm>> -> memref<16x64xi32, #tpu.memory_space<hbm>>
        %dma_start3A_480 = arith.constant 0 : i32
        %dma_start3A_481 = tpu.memref_slice %arg3[%add3A, %mul3A_28, %dma_start3A_480] : memref<32x160x64xi32, #tpu.memory_space<hbm>> -> memref<1x16x64xi32, #tpu.memory_space<hbm>>
        %dma_start3A_482 = tpu.memref_squeeze %dma_start3A_481 : memref<1x16x64xi32, #tpu.memory_space<hbm>> -> memref<16x64xi32, #tpu.memory_space<hbm>>
        tpu.enqueue_dma source(%dma_start3A_482 : memref<16x64xi32, #tpu.memory_space<hbm>>) target(%arg6 : memref<16x64xi32, #tpu.memory_space<vmem>>) target_semaphore(%run_scoped3A : memref<!tpu.dma_semaphore, #tpu.memory_space<semaphore_mem>>)
        %dma_wait3A_483 = arith.constant 0 : i32
        %dma_wait3A_484 = tpu.memref_slice %arg3[%add3A, %mul3A_28, %dma_wait3A_483] : memref<32x160x64xi32, #tpu.memory_space<hbm>> -> memref<1x16x64xi32, #tpu.memory_space<hbm>>
        %dma_wait3A_485 = tpu.memref_squeeze %dma_wait3A_484 : memref<1x16x64xi32, #tpu.memory_space<hbm>> -> memref<16x64xi32, #tpu.memory_space<hbm>>
        %dma_wait3A_486 = arith.constant 0 : i32
        %dma_wait3A_487 = tpu.memref_slice %arg3[%add3A, %mul3A_28, %dma_wait3A_486] : memref<32x160x64xi32, #tpu.memory_space<hbm>> -> memref<1x16x64xi32, #tpu.memory_space<hbm>>
        %dma_wait3A_488 = tpu.memref_squeeze %dma_wait3A_487 : memref<1x16x64xi32, #tpu.memory_space<hbm>> -> memref<16x64xi32, #tpu.memory_space<hbm>>
        tpu.wait_dma2 semaphore(%run_scoped3A : memref<!tpu.dma_semaphore, #tpu.memory_space<semaphore_mem>>) src(%dma_wait3A_488 : memref<16x64xi32, #tpu.memory_space<hbm>>) dst(%arg6 : memref<16x64xi32, #tpu.memory_space<vmem>>)
        tpu.yield
      }) : () -> ()
      %mul3A_29 = arith.constant 16 : i32
      %mul3A_30 = arith.muli %add3A_26, %mul3A_29 : i32
      "tpu.region"() ({
        %run_scoped3A = tpu.sem_alloc : memref<!tpu.dma_semaphore, #tpu.memory_space<semaphore_mem>>
        %dma_start3A_477 = arith.constant 0 : i32
        %dma_start3A_478 = tpu.memref_slice %arg4[%add3A, %mul3A_30, %dma_start3A_477] : memref<32x160x64xi32, #tpu.memory_space<hbm>> -> memref<1x16x64xi32, #tpu.memory_space<hbm>>
        %dma_start3A_479 = tpu.memref_squeeze %dma_start3A_478 : memref<1x16x64xi32, #tpu.memory_space<hbm>> -> memref<16x64xi32, #tpu.memory_space<hbm>>
        %dma_start3A_480 = arith.constant 0 : i32
        %dma_start3A_481 = tpu.memref_slice %arg4[%add3A, %mul3A_30, %dma_start3A_480] : memref<32x160x64xi32, #tpu.memory_space<hbm>> -> memref<1x16x64xi32, #tpu.memory_space<hbm>>
        %dma_start3A_482 = tpu.memref_squeeze %dma_start3A_481 : memref<1x16x64xi32, #tpu.memory_space<hbm>> -> memref<16x64xi32, #tpu.memory_space<hbm>>
        tpu.enqueue_dma source(%dma_start3A_482 : memref<16x64xi32, #tpu.memory_space<hbm>>) target(%arg7 : memref<16x64xi32, #tpu.memory_space<vmem>>) target_semaphore(%run_scoped3A : memref<!tpu.dma_semaphore, #tpu.memory_space<semaphore_mem>>)
        %dma_wait3A_483 = arith.constant 0 : i32
        %dma_wait3A_484 = tpu.memref_slice %arg4[%add3A, %mul3A_30, %dma_wait3A_483] : memref<32x160x64xi32, #tpu.memory_space<hbm>> -> memref<1x16x64xi32, #tpu.memory_space<hbm>>
        %dma_wait3A_485 = tpu.memref_squeeze %dma_wait3A_484 : memref<1x16x64xi32, #tpu.memory_space<hbm>> -> memref<16x64xi32, #tpu.memory_space<hbm>>
        %dma_wait3A_486 = arith.constant 0 : i32
        %dma_wait3A_487 = tpu.memref_slice %arg4[%add3A, %mul3A_30, %dma_wait3A_486] : memref<32x160x64xi32, #tpu.memory_space<hbm>> -> memref<1x16x64xi32, #tpu.memory_space<hbm>>
        %dma_wait3A_488 = tpu.memref_squeeze %dma_wait3A_487 : memref<1x16x64xi32, #tpu.memory_space<hbm>> -> memref<16x64xi32, #tpu.memory_space<hbm>>
        tpu.wait_dma2 semaphore(%run_scoped3A : memref<!tpu.dma_semaphore, #tpu.memory_space<semaphore_mem>>) src(%dma_wait3A_488 : memref<16x64xi32, #tpu.memory_space<hbm>>) dst(%arg7 : memref<16x64xi32, #tpu.memory_space<vmem>>)
        tpu.yield
      }) : () -> ()
      %dma_start3A = arith.constant 0 : i32
      %dma_start3A_31 = arith.constant 0 : i32
      %dma_start3A_32 = tpu.memref_slice %arg6[%dma_start3A, %dma_start3A_31] : memref<16x64xi32, #tpu.memory_space<vmem>> -> memref<1x64xi32, #tpu.memory_space<vmem>>
      %dma_start3A_33 = tpu.memref_squeeze %dma_start3A_32 : memref<1x64xi32, #tpu.memory_space<vmem>> -> memref<64xi32, #tpu.memory_space<vmem>>
      %dma_start3A_34 = arith.constant 0 : i32
      %dma_start3A_35 = arith.constant 0 : i32
      %dma_start3A_36 = tpu.memref_slice %arg2[%dma_start3A_34, %dma_start3A_35] : memref<80000x128xf32, #tpu.memory_space<hbm>> -> memref<80000x128xf32, #tpu.memory_space<hbm>>
      tpu.enqueue_indirect_dma source(%dma_start3A_36 : memref<80000x128xf32, #tpu.memory_space<hbm>>) target(%arg8 : memref<64x128xf32, #tpu.memory_space<vmem>>) offsets(%dma_start3A_33 : memref<64xi32, #tpu.memory_space<vmem>>) semaphore(%arg13 : memref<!tpu.dma_semaphore, #tpu.memory_space<semaphore_mem>>)
      %dma_start3A_37 = arith.constant 1 : i32
      %dma_start3A_38 = arith.constant 0 : i32
      %dma_start3A_39 = tpu.memref_slice %arg6[%dma_start3A_37, %dma_start3A_38] : memref<16x64xi32, #tpu.memory_space<vmem>> -> memref<1x64xi32, #tpu.memory_space<vmem>>
      %dma_start3A_40 = tpu.memref_squeeze %dma_start3A_39 : memref<1x64xi32, #tpu.memory_space<vmem>> -> memref<64xi32, #tpu.memory_space<vmem>>
      %dma_start3A_41 = arith.constant 0 : i32
      %dma_start3A_42 = arith.constant 0 : i32
      %dma_start3A_43 = tpu.memref_slice %arg2[%dma_start3A_41, %dma_start3A_42] : memref<80000x128xf32, #tpu.memory_space<hbm>> -> memref<80000x128xf32, #tpu.memory_space<hbm>>
      tpu.enqueue_indirect_dma source(%dma_start3A_43 : memref<80000x128xf32, #tpu.memory_space<hbm>>) target(%arg9 : memref<64x128xf32, #tpu.memory_space<vmem>>) offsets(%dma_start3A_40 : memref<64xi32, #tpu.memory_space<vmem>>) semaphore(%arg14 : memref<!tpu.dma_semaphore, #tpu.memory_space<semaphore_mem>>)
      %dma_start3A_44 = arith.constant 2 : i32
      %dma_start3A_45 = arith.constant 0 : i32
      %dma_start3A_46 = tpu.memref_slice %arg6[%dma_start3A_44, %dma_start3A_45] : memref<16x64xi32, #tpu.memory_space<vmem>> -> memref<1x64xi32, #tpu.memory_space<vmem>>
      %dma_start3A_47 = tpu.memref_squeeze %dma_start3A_46 : memref<1x64xi32, #tpu.memory_space<vmem>> -> memref<64xi32, #tpu.memory_space<vmem>>
      %dma_start3A_48 = arith.constant 0 : i32
      %dma_start3A_49 = arith.constant 0 : i32
      %dma_start3A_50 = tpu.memref_slice %arg2[%dma_start3A_48, %dma_start3A_49] : memref<80000x128xf32, #tpu.memory_space<hbm>> -> memref<80000x128xf32, #tpu.memory_space<hbm>>
      tpu.enqueue_indirect_dma source(%dma_start3A_50 : memref<80000x128xf32, #tpu.memory_space<hbm>>) target(%arg10 : memref<64x128xf32, #tpu.memory_space<vmem>>) offsets(%dma_start3A_47 : memref<64xi32, #tpu.memory_space<vmem>>) semaphore(%arg15 : memref<!tpu.dma_semaphore, #tpu.memory_space<semaphore_mem>>)
      %dma_start3A_51 = arith.constant 3 : i32
      %dma_start3A_52 = arith.constant 0 : i32
      %dma_start3A_53 = tpu.memref_slice %arg6[%dma_start3A_51, %dma_start3A_52] : memref<16x64xi32, #tpu.memory_space<vmem>> -> memref<1x64xi32, #tpu.memory_space<vmem>>
      %dma_start3A_54 = tpu.memref_squeeze %dma_start3A_53 : memref<1x64xi32, #tpu.memory_space<vmem>> -> memref<64xi32, #tpu.memory_space<vmem>>
      %dma_start3A_55 = arith.constant 0 : i32
      %dma_start3A_56 = arith.constant 0 : i32
      %dma_start3A_57 = tpu.memref_slice %arg2[%dma_start3A_55, %dma_start3A_56] : memref<80000x128xf32, #tpu.memory_space<hbm>> -> memref<80000x128xf32, #tpu.memory_space<hbm>>
      tpu.enqueue_indirect_dma source(%dma_start3A_57 : memref<80000x128xf32, #tpu.memory_space<hbm>>) target(%arg11 : memref<64x128xf32, #tpu.memory_space<vmem>>) offsets(%dma_start3A_54 : memref<64xi32, #tpu.memory_space<vmem>>) semaphore(%arg16 : memref<!tpu.dma_semaphore, #tpu.memory_space<semaphore_mem>>)
      %dma_wait3A = arith.constant 0 : i32
      %dma_wait3A_58 = arith.constant 0 : i32
      %dma_wait3A_59 = tpu.memref_slice %arg6[%dma_wait3A, %dma_wait3A_58] : memref<16x64xi32, #tpu.memory_space<vmem>> -> memref<1x64xi32, #tpu.memory_space<vmem>>
      %dma_wait3A_60 = tpu.memref_squeeze %dma_wait3A_59 : memref<1x64xi32, #tpu.memory_space<vmem>> -> memref<64xi32, #tpu.memory_space<vmem>>
      %dma_wait3A_61 = arith.constant 0 : i32
      %dma_wait3A_62 = arith.constant 0 : i32
      %dma_wait3A_63 = tpu.memref_slice %arg2[%dma_wait3A_61, %dma_wait3A_62] : memref<80000x128xf32, #tpu.memory_space<hbm>> -> memref<80000x128xf32, #tpu.memory_space<hbm>>
      tpu.wait_indirect_dma semaphore(%arg13 : memref<!tpu.dma_semaphore, #tpu.memory_space<semaphore_mem>>) src(%dma_wait3A_63 : memref<80000x128xf32, #tpu.memory_space<hbm>>) dst(%arg8 : memref<64x128xf32, #tpu.memory_space<vmem>>)
      %dma_start3A_64 = arith.constant 0 : i32
      %dma_start3A_65 = arith.constant 0 : i32
      %dma_start3A_66 = tpu.memref_slice %arg7[%dma_start3A_64, %dma_start3A_65] : memref<16x64xi32, #tpu.memory_space<vmem>> -> memref<1x64xi32, #tpu.memory_space<vmem>>
      %dma_start3A_67 = tpu.memref_squeeze %dma_start3A_66 : memref<1x64xi32, #tpu.memory_space<vmem>> -> memref<64xi32, #tpu.memory_space<vmem>>
      %dma_start3A_68 = arith.constant 0 : i32
      %dma_start3A_69 = arith.constant 0 : i32
      %dma_start3A_70 = tpu.memref_slice %arg12[%dma_start3A_68, %dma_start3A_69] : memref<10240x128xf32, #tpu.memory_space<vmem_shared>> -> memref<10240x128xf32, #tpu.memory_space<vmem_shared>>
      tpu.enqueue_indirect_dma source(%arg8 : memref<64x128xf32, #tpu.memory_space<vmem>>) target(%dma_start3A_70 : memref<10240x128xf32, #tpu.memory_space<vmem_shared>>) offsets(%dma_start3A_67 : memref<64xi32, #tpu.memory_space<vmem>>) semaphore(%arg17 : memref<!tpu.dma_semaphore, #tpu.memory_space<semaphore_mem>>) {add = true}
      %dma_wait3A_71 = arith.constant 0 : i32
      %dma_wait3A_72 = arith.constant 0 : i32
      %dma_wait3A_73 = tpu.memref_slice %arg7[%dma_wait3A_71, %dma_wait3A_72] : memref<16x64xi32, #tpu.memory_space<vmem>> -> memref<1x64xi32, #tpu.memory_space<vmem>>
      %dma_wait3A_74 = tpu.memref_squeeze %dma_wait3A_73 : memref<1x64xi32, #tpu.memory_space<vmem>> -> memref<64xi32, #tpu.memory_space<vmem>>
      %dma_wait3A_75 = arith.constant 0 : i32
      %dma_wait3A_76 = arith.constant 0 : i32
      %dma_wait3A_77 = tpu.memref_slice %arg12[%dma_wait3A_75, %dma_wait3A_76] : memref<10240x128xf32, #tpu.memory_space<vmem_shared>> -> memref<10240x128xf32, #tpu.memory_space<vmem_shared>>
      tpu.wait_indirect_dma semaphore(%arg17 : memref<!tpu.dma_semaphore, #tpu.memory_space<semaphore_mem>>) src(%arg8 : memref<64x128xf32, #tpu.memory_space<vmem>>) dst(%dma_wait3A_77 : memref<10240x128xf32, #tpu.memory_space<vmem_shared>>)
      %dma_start3A_78 = arith.constant 4 : i32
      %dma_start3A_79 = arith.constant 0 : i32
      %dma_start3A_80 = tpu.memref_slice %arg6[%dma_start3A_78, %dma_start3A_79] : memref<16x64xi32, #tpu.memory_space<vmem>> -> memref<1x64xi32, #tpu.memory_space<vmem>>
      %dma_start3A_81 = tpu.memref_squeeze %dma_start3A_80 : memref<1x64xi32, #tpu.memory_space<vmem>> -> memref<64xi32, #tpu.memory_space<vmem>>
      %dma_start3A_82 = arith.constant 0 : i32
      %dma_start3A_83 = arith.constant 0 : i32
      %dma_start3A_84 = tpu.memref_slice %arg2[%dma_start3A_82, %dma_start3A_83] : memref<80000x128xf32, #tpu.memory_space<hbm>> -> memref<80000x128xf32, #tpu.memory_space<hbm>>
      tpu.enqueue_indirect_dma source(%dma_start3A_84 : memref<80000x128xf32, #tpu.memory_space<hbm>>) target(%arg8 : memref<64x128xf32, #tpu.memory_space<vmem>>) offsets(%dma_start3A_81 : memref<64xi32, #tpu.memory_space<vmem>>) semaphore(%arg13 : memref<!tpu.dma_semaphore, #tpu.memory_space<semaphore_mem>>)
      %dma_wait3A_85 = arith.constant 1 : i32
      %dma_wait3A_86 = arith.constant 0 : i32
      %dma_wait3A_87 = tpu.memref_slice %arg6[%dma_wait3A_85, %dma_wait3A_86] : memref<16x64xi32, #tpu.memory_space<vmem>> -> memref<1x64xi32, #tpu.memory_space<vmem>>
      %dma_wait3A_88 = tpu.memref_squeeze %dma_wait3A_87 : memref<1x64xi32, #tpu.memory_space<vmem>> -> memref<64xi32, #tpu.memory_space<vmem>>
      %dma_wait3A_89 = arith.constant 0 : i32
      %dma_wait3A_90 = arith.constant 0 : i32
      %dma_wait3A_91 = tpu.memref_slice %arg2[%dma_wait3A_89, %dma_wait3A_90] : memref<80000x128xf32, #tpu.memory_space<hbm>> -> memref<80000x128xf32, #tpu.memory_space<hbm>>
      tpu.wait_indirect_dma semaphore(%arg14 : memref<!tpu.dma_semaphore, #tpu.memory_space<semaphore_mem>>) src(%dma_wait3A_91 : memref<80000x128xf32, #tpu.memory_space<hbm>>) dst(%arg9 : memref<64x128xf32, #tpu.memory_space<vmem>>)
      %dma_start3A_92 = arith.constant 1 : i32
      %dma_start3A_93 = arith.constant 0 : i32
      %dma_start3A_94 = tpu.memref_slice %arg7[%dma_start3A_92, %dma_start3A_93] : memref<16x64xi32, #tpu.memory_space<vmem>> -> memref<1x64xi32, #tpu.memory_space<vmem>>
      %dma_start3A_95 = tpu.memref_squeeze %dma_start3A_94 : memref<1x64xi32, #tpu.memory_space<vmem>> -> memref<64xi32, #tpu.memory_space<vmem>>
      %dma_start3A_96 = arith.constant 0 : i32
      %dma_start3A_97 = arith.constant 0 : i32
      %dma_start3A_98 = tpu.memref_slice %arg12[%dma_start3A_96, %dma_start3A_97] : memref<10240x128xf32, #tpu.memory_space<vmem_shared>> -> memref<10240x128xf32, #tpu.memory_space<vmem_shared>>
      tpu.enqueue_indirect_dma source(%arg9 : memref<64x128xf32, #tpu.memory_space<vmem>>) target(%dma_start3A_98 : memref<10240x128xf32, #tpu.memory_space<vmem_shared>>) offsets(%dma_start3A_95 : memref<64xi32, #tpu.memory_space<vmem>>) semaphore(%arg18 : memref<!tpu.dma_semaphore, #tpu.memory_space<semaphore_mem>>) {add = true}
      %dma_wait3A_99 = arith.constant 1 : i32
      %dma_wait3A_100 = arith.constant 0 : i32
      %dma_wait3A_101 = tpu.memref_slice %arg7[%dma_wait3A_99, %dma_wait3A_100] : memref<16x64xi32, #tpu.memory_space<vmem>> -> memref<1x64xi32, #tpu.memory_space<vmem>>
      %dma_wait3A_102 = tpu.memref_squeeze %dma_wait3A_101 : memref<1x64xi32, #tpu.memory_space<vmem>> -> memref<64xi32, #tpu.memory_space<vmem>>
      %dma_wait3A_103 = arith.constant 0 : i32
      %dma_wait3A_104 = arith.constant 0 : i32
      %dma_wait3A_105 = tpu.memref_slice %arg12[%dma_wait3A_103, %dma_wait3A_104] : memref<10240x128xf32, #tpu.memory_space<vmem_shared>> -> memref<10240x128xf32, #tpu.memory_space<vmem_shared>>
      tpu.wait_indirect_dma semaphore(%arg18 : memref<!tpu.dma_semaphore, #tpu.memory_space<semaphore_mem>>) src(%arg9 : memref<64x128xf32, #tpu.memory_space<vmem>>) dst(%dma_wait3A_105 : memref<10240x128xf32, #tpu.memory_space<vmem_shared>>)
      %dma_start3A_106 = arith.constant 5 : i32
      %dma_start3A_107 = arith.constant 0 : i32
      %dma_start3A_108 = tpu.memref_slice %arg6[%dma_start3A_106, %dma_start3A_107] : memref<16x64xi32, #tpu.memory_space<vmem>> -> memref<1x64xi32, #tpu.memory_space<vmem>>
      %dma_start3A_109 = tpu.memref_squeeze %dma_start3A_108 : memref<1x64xi32, #tpu.memory_space<vmem>> -> memref<64xi32, #tpu.memory_space<vmem>>
      %dma_start3A_110 = arith.constant 0 : i32
      %dma_start3A_111 = arith.constant 0 : i32
      %dma_start3A_112 = tpu.memref_slice %arg2[%dma_start3A_110, %dma_start3A_111] : memref<80000x128xf32, #tpu.memory_space<hbm>> -> memref<80000x128xf32, #tpu.memory_space<hbm>>
      tpu.enqueue_indirect_dma source(%dma_start3A_112 : memref<80000x128xf32, #tpu.memory_space<hbm>>) target(%arg9 : memref<64x128xf32, #tpu.memory_space<vmem>>) offsets(%dma_start3A_109 : memref<64xi32, #tpu.memory_space<vmem>>) semaphore(%arg14 : memref<!tpu.dma_semaphore, #tpu.memory_space<semaphore_mem>>)
      %dma_wait3A_113 = arith.constant 2 : i32
      %dma_wait3A_114 = arith.constant 0 : i32
      %dma_wait3A_115 = tpu.memref_slice %arg6[%dma_wait3A_113, %dma_wait3A_114] : memref<16x64xi32, #tpu.memory_space<vmem>> -> memref<1x64xi32, #tpu.memory_space<vmem>>
      %dma_wait3A_116 = tpu.memref_squeeze %dma_wait3A_115 : memref<1x64xi32, #tpu.memory_space<vmem>> -> memref<64xi32, #tpu.memory_space<vmem>>
      %dma_wait3A_117 = arith.constant 0 : i32
      %dma_wait3A_118 = arith.constant 0 : i32
      %dma_wait3A_119 = tpu.memref_slice %arg2[%dma_wait3A_117, %dma_wait3A_118] : memref<80000x128xf32, #tpu.memory_space<hbm>> -> memref<80000x128xf32, #tpu.memory_space<hbm>>
      tpu.wait_indirect_dma semaphore(%arg15 : memref<!tpu.dma_semaphore, #tpu.memory_space<semaphore_mem>>) src(%dma_wait3A_119 : memref<80000x128xf32, #tpu.memory_space<hbm>>) dst(%arg10 : memref<64x128xf32, #tpu.memory_space<vmem>>)
      %dma_start3A_120 = arith.constant 2 : i32
      %dma_start3A_121 = arith.constant 0 : i32
      %dma_start3A_122 = tpu.memref_slice %arg7[%dma_start3A_120, %dma_start3A_121] : memref<16x64xi32, #tpu.memory_space<vmem>> -> memref<1x64xi32, #tpu.memory_space<vmem>>
      %dma_start3A_123 = tpu.memref_squeeze %dma_start3A_122 : memref<1x64xi32, #tpu.memory_space<vmem>> -> memref<64xi32, #tpu.memory_space<vmem>>
      %dma_start3A_124 = arith.constant 0 : i32
      %dma_start3A_125 = arith.constant 0 : i32
      %dma_start3A_126 = tpu.memref_slice %arg12[%dma_start3A_124, %dma_start3A_125] : memref<10240x128xf32, #tpu.memory_space<vmem_shared>> -> memref<10240x128xf32, #tpu.memory_space<vmem_shared>>
      tpu.enqueue_indirect_dma source(%arg10 : memref<64x128xf32, #tpu.memory_space<vmem>>) target(%dma_start3A_126 : memref<10240x128xf32, #tpu.memory_space<vmem_shared>>) offsets(%dma_start3A_123 : memref<64xi32, #tpu.memory_space<vmem>>) semaphore(%arg19 : memref<!tpu.dma_semaphore, #tpu.memory_space<semaphore_mem>>) {add = true}
      %dma_wait3A_127 = arith.constant 2 : i32
      %dma_wait3A_128 = arith.constant 0 : i32
      %dma_wait3A_129 = tpu.memref_slice %arg7[%dma_wait3A_127, %dma_wait3A_128] : memref<16x64xi32, #tpu.memory_space<vmem>> -> memref<1x64xi32, #tpu.memory_space<vmem>>
      %dma_wait3A_130 = tpu.memref_squeeze %dma_wait3A_129 : memref<1x64xi32, #tpu.memory_space<vmem>> -> memref<64xi32, #tpu.memory_space<vmem>>
      %dma_wait3A_131 = arith.constant 0 : i32
      %dma_wait3A_132 = arith.constant 0 : i32
      %dma_wait3A_133 = tpu.memref_slice %arg12[%dma_wait3A_131, %dma_wait3A_132] : memref<10240x128xf32, #tpu.memory_space<vmem_shared>> -> memref<10240x128xf32, #tpu.memory_space<vmem_shared>>
      tpu.wait_indirect_dma semaphore(%arg19 : memref<!tpu.dma_semaphore, #tpu.memory_space<semaphore_mem>>) src(%arg10 : memref<64x128xf32, #tpu.memory_space<vmem>>) dst(%dma_wait3A_133 : memref<10240x128xf32, #tpu.memory_space<vmem_shared>>)
      %dma_start3A_134 = arith.constant 6 : i32
      %dma_start3A_135 = arith.constant 0 : i32
      %dma_start3A_136 = tpu.memref_slice %arg6[%dma_start3A_134, %dma_start3A_135] : memref<16x64xi32, #tpu.memory_space<vmem>> -> memref<1x64xi32, #tpu.memory_space<vmem>>
      %dma_start3A_137 = tpu.memref_squeeze %dma_start3A_136 : memref<1x64xi32, #tpu.memory_space<vmem>> -> memref<64xi32, #tpu.memory_space<vmem>>
      %dma_start3A_138 = arith.constant 0 : i32
      %dma_start3A_139 = arith.constant 0 : i32
      %dma_start3A_140 = tpu.memref_slice %arg2[%dma_start3A_138, %dma_start3A_139] : memref<80000x128xf32, #tpu.memory_space<hbm>> -> memref<80000x128xf32, #tpu.memory_space<hbm>>
      tpu.enqueue_indirect_dma source(%dma_start3A_140 : memref<80000x128xf32, #tpu.memory_space<hbm>>) target(%arg10 : memref<64x128xf32, #tpu.memory_space<vmem>>) offsets(%dma_start3A_137 : memref<64xi32, #tpu.memory_space<vmem>>) semaphore(%arg15 : memref<!tpu.dma_semaphore, #tpu.memory_space<semaphore_mem>>)
      %dma_wait3A_141 = arith.constant 3 : i32
      %dma_wait3A_142 = arith.constant 0 : i32
      %dma_wait3A_143 = tpu.memref_slice %arg6[%dma_wait3A_141, %dma_wait3A_142] : memref<16x64xi32, #tpu.memory_space<vmem>> -> memref<1x64xi32, #tpu.memory_space<vmem>>
      %dma_wait3A_144 = tpu.memref_squeeze %dma_wait3A_143 : memref<1x64xi32, #tpu.memory_space<vmem>> -> memref<64xi32, #tpu.memory_space<vmem>>
      %dma_wait3A_145 = arith.constant 0 : i32
      %dma_wait3A_146 = arith.constant 0 : i32
      %dma_wait3A_147 = tpu.memref_slice %arg2[%dma_wait3A_145, %dma_wait3A_146] : memref<80000x128xf32, #tpu.memory_space<hbm>> -> memref<80000x128xf32, #tpu.memory_space<hbm>>
      tpu.wait_indirect_dma semaphore(%arg16 : memref<!tpu.dma_semaphore, #tpu.memory_space<semaphore_mem>>) src(%dma_wait3A_147 : memref<80000x128xf32, #tpu.memory_space<hbm>>) dst(%arg11 : memref<64x128xf32, #tpu.memory_space<vmem>>)
      %dma_start3A_148 = arith.constant 3 : i32
      %dma_start3A_149 = arith.constant 0 : i32
      %dma_start3A_150 = tpu.memref_slice %arg7[%dma_start3A_148, %dma_start3A_149] : memref<16x64xi32, #tpu.memory_space<vmem>> -> memref<1x64xi32, #tpu.memory_space<vmem>>
      %dma_start3A_151 = tpu.memref_squeeze %dma_start3A_150 : memref<1x64xi32, #tpu.memory_space<vmem>> -> memref<64xi32, #tpu.memory_space<vmem>>
      %dma_start3A_152 = arith.constant 0 : i32
      %dma_start3A_153 = arith.constant 0 : i32
      %dma_start3A_154 = tpu.memref_slice %arg12[%dma_start3A_152, %dma_start3A_153] : memref<10240x128xf32, #tpu.memory_space<vmem_shared>> -> memref<10240x128xf32, #tpu.memory_space<vmem_shared>>
      tpu.enqueue_indirect_dma source(%arg11 : memref<64x128xf32, #tpu.memory_space<vmem>>) target(%dma_start3A_154 : memref<10240x128xf32, #tpu.memory_space<vmem_shared>>) offsets(%dma_start3A_151 : memref<64xi32, #tpu.memory_space<vmem>>) semaphore(%arg20 : memref<!tpu.dma_semaphore, #tpu.memory_space<semaphore_mem>>) {add = true}
      %dma_wait3A_155 = arith.constant 3 : i32
      %dma_wait3A_156 = arith.constant 0 : i32
      %dma_wait3A_157 = tpu.memref_slice %arg7[%dma_wait3A_155, %dma_wait3A_156] : memref<16x64xi32, #tpu.memory_space<vmem>> -> memref<1x64xi32, #tpu.memory_space<vmem>>
      %dma_wait3A_158 = tpu.memref_squeeze %dma_wait3A_157 : memref<1x64xi32, #tpu.memory_space<vmem>> -> memref<64xi32, #tpu.memory_space<vmem>>
      %dma_wait3A_159 = arith.constant 0 : i32
      %dma_wait3A_160 = arith.constant 0 : i32
      %dma_wait3A_161 = tpu.memref_slice %arg12[%dma_wait3A_159, %dma_wait3A_160] : memref<10240x128xf32, #tpu.memory_space<vmem_shared>> -> memref<10240x128xf32, #tpu.memory_space<vmem_shared>>
      tpu.wait_indirect_dma semaphore(%arg20 : memref<!tpu.dma_semaphore, #tpu.memory_space<semaphore_mem>>) src(%arg11 : memref<64x128xf32, #tpu.memory_space<vmem>>) dst(%dma_wait3A_161 : memref<10240x128xf32, #tpu.memory_space<vmem_shared>>)
      %dma_start3A_162 = arith.constant 7 : i32
      %dma_start3A_163 = arith.constant 0 : i32
      %dma_start3A_164 = tpu.memref_slice %arg6[%dma_start3A_162, %dma_start3A_163] : memref<16x64xi32, #tpu.memory_space<vmem>> -> memref<1x64xi32, #tpu.memory_space<vmem>>
      %dma_start3A_165 = tpu.memref_squeeze %dma_start3A_164 : memref<1x64xi32, #tpu.memory_space<vmem>> -> memref<64xi32, #tpu.memory_space<vmem>>
      %dma_start3A_166 = arith.constant 0 : i32
      %dma_start3A_167 = arith.constant 0 : i32
      %dma_start3A_168 = tpu.memref_slice %arg2[%dma_start3A_166, %dma_start3A_167] : memref<80000x128xf32, #tpu.memory_space<hbm>> -> memref<80000x128xf32, #tpu.memory_space<hbm>>
      tpu.enqueue_indirect_dma source(%dma_start3A_168 : memref<80000x128xf32, #tpu.memory_space<hbm>>) target(%arg11 : memref<64x128xf32, #tpu.memory_space<vmem>>) offsets(%dma_start3A_165 : memref<64xi32, #tpu.memory_space<vmem>>) semaphore(%arg16 : memref<!tpu.dma_semaphore, #tpu.memory_space<semaphore_mem>>)
      %dma_wait3A_169 = arith.constant 4 : i32
      %dma_wait3A_170 = arith.constant 0 : i32
      %dma_wait3A_171 = tpu.memref_slice %arg6[%dma_wait3A_169, %dma_wait3A_170] : memref<16x64xi32, #tpu.memory_space<vmem>> -> memref<1x64xi32, #tpu.memory_space<vmem>>
      %dma_wait3A_172 = tpu.memref_squeeze %dma_wait3A_171 : memref<1x64xi32, #tpu.memory_space<vmem>> -> memref<64xi32, #tpu.memory_space<vmem>>
      %dma_wait3A_173 = arith.constant 0 : i32
      %dma_wait3A_174 = arith.constant 0 : i32
      %dma_wait3A_175 = tpu.memref_slice %arg2[%dma_wait3A_173, %dma_wait3A_174] : memref<80000x128xf32, #tpu.memory_space<hbm>> -> memref<80000x128xf32, #tpu.memory_space<hbm>>
      tpu.wait_indirect_dma semaphore(%arg13 : memref<!tpu.dma_semaphore, #tpu.memory_space<semaphore_mem>>) src(%dma_wait3A_175 : memref<80000x128xf32, #tpu.memory_space<hbm>>) dst(%arg8 : memref<64x128xf32, #tpu.memory_space<vmem>>)
      %dma_start3A_176 = arith.constant 4 : i32
      %dma_start3A_177 = arith.constant 0 : i32
      %dma_start3A_178 = tpu.memref_slice %arg7[%dma_start3A_176, %dma_start3A_177] : memref<16x64xi32, #tpu.memory_space<vmem>> -> memref<1x64xi32, #tpu.memory_space<vmem>>
      %dma_start3A_179 = tpu.memref_squeeze %dma_start3A_178 : memref<1x64xi32, #tpu.memory_space<vmem>> -> memref<64xi32, #tpu.memory_space<vmem>>
      %dma_start3A_180 = arith.constant 0 : i32
      %dma_start3A_181 = arith.constant 0 : i32
      %dma_start3A_182 = tpu.memref_slice %arg12[%dma_start3A_180, %dma_start3A_181] : memref<10240x128xf32, #tpu.memory_space<vmem_shared>> -> memref<10240x128xf32, #tpu.memory_space<vmem_shared>>
      tpu.enqueue_indirect_dma source(%arg8 : memref<64x128xf32, #tpu.memory_space<vmem>>) target(%dma_start3A_182 : memref<10240x128xf32, #tpu.memory_space<vmem_shared>>) offsets(%dma_start3A_179 : memref<64xi32, #tpu.memory_space<vmem>>) semaphore(%arg17 : memref<!tpu.dma_semaphore, #tpu.memory_space<semaphore_mem>>) {add = true}
      %dma_wait3A_183 = arith.constant 4 : i32
      %dma_wait3A_184 = arith.constant 0 : i32
      %dma_wait3A_185 = tpu.memref_slice %arg7[%dma_wait3A_183, %dma_wait3A_184] : memref<16x64xi32, #tpu.memory_space<vmem>> -> memref<1x64xi32, #tpu.memory_space<vmem>>
      %dma_wait3A_186 = tpu.memref_squeeze %dma_wait3A_185 : memref<1x64xi32, #tpu.memory_space<vmem>> -> memref<64xi32, #tpu.memory_space<vmem>>
      %dma_wait3A_187 = arith.constant 0 : i32
      %dma_wait3A_188 = arith.constant 0 : i32
      %dma_wait3A_189 = tpu.memref_slice %arg12[%dma_wait3A_187, %dma_wait3A_188] : memref<10240x128xf32, #tpu.memory_space<vmem_shared>> -> memref<10240x128xf32, #tpu.memory_space<vmem_shared>>
      tpu.wait_indirect_dma semaphore(%arg17 : memref<!tpu.dma_semaphore, #tpu.memory_space<semaphore_mem>>) src(%arg8 : memref<64x128xf32, #tpu.memory_space<vmem>>) dst(%dma_wait3A_189 : memref<10240x128xf32, #tpu.memory_space<vmem_shared>>)
      %dma_start3A_190 = arith.constant 8 : i32
      %dma_start3A_191 = arith.constant 0 : i32
      %dma_start3A_192 = tpu.memref_slice %arg6[%dma_start3A_190, %dma_start3A_191] : memref<16x64xi32, #tpu.memory_space<vmem>> -> memref<1x64xi32, #tpu.memory_space<vmem>>
      %dma_start3A_193 = tpu.memref_squeeze %dma_start3A_192 : memref<1x64xi32, #tpu.memory_space<vmem>> -> memref<64xi32, #tpu.memory_space<vmem>>
      %dma_start3A_194 = arith.constant 0 : i32
      %dma_start3A_195 = arith.constant 0 : i32
      %dma_start3A_196 = tpu.memref_slice %arg2[%dma_start3A_194, %dma_start3A_195] : memref<80000x128xf32, #tpu.memory_space<hbm>> -> memref<80000x128xf32, #tpu.memory_space<hbm>>
      tpu.enqueue_indirect_dma source(%dma_start3A_196 : memref<80000x128xf32, #tpu.memory_space<hbm>>) target(%arg8 : memref<64x128xf32, #tpu.memory_space<vmem>>) offsets(%dma_start3A_193 : memref<64xi32, #tpu.memory_space<vmem>>) semaphore(%arg13 : memref<!tpu.dma_semaphore, #tpu.memory_space<semaphore_mem>>)
      %dma_wait3A_197 = arith.constant 5 : i32
      %dma_wait3A_198 = arith.constant 0 : i32
      %dma_wait3A_199 = tpu.memref_slice %arg6[%dma_wait3A_197, %dma_wait3A_198] : memref<16x64xi32, #tpu.memory_space<vmem>> -> memref<1x64xi32, #tpu.memory_space<vmem>>
      %dma_wait3A_200 = tpu.memref_squeeze %dma_wait3A_199 : memref<1x64xi32, #tpu.memory_space<vmem>> -> memref<64xi32, #tpu.memory_space<vmem>>
      %dma_wait3A_201 = arith.constant 0 : i32
      %dma_wait3A_202 = arith.constant 0 : i32
      %dma_wait3A_203 = tpu.memref_slice %arg2[%dma_wait3A_201, %dma_wait3A_202] : memref<80000x128xf32, #tpu.memory_space<hbm>> -> memref<80000x128xf32, #tpu.memory_space<hbm>>
      tpu.wait_indirect_dma semaphore(%arg14 : memref<!tpu.dma_semaphore, #tpu.memory_space<semaphore_mem>>) src(%dma_wait3A_203 : memref<80000x128xf32, #tpu.memory_space<hbm>>) dst(%arg9 : memref<64x128xf32, #tpu.memory_space<vmem>>)
      %dma_start3A_204 = arith.constant 5 : i32
      %dma_start3A_205 = arith.constant 0 : i32
      %dma_start3A_206 = tpu.memref_slice %arg7[%dma_start3A_204, %dma_start3A_205] : memref<16x64xi32, #tpu.memory_space<vmem>> -> memref<1x64xi32, #tpu.memory_space<vmem>>
      %dma_start3A_207 = tpu.memref_squeeze %dma_start3A_206 : memref<1x64xi32, #tpu.memory_space<vmem>> -> memref<64xi32, #tpu.memory_space<vmem>>
      %dma_start3A_208 = arith.constant 0 : i32
      %dma_start3A_209 = arith.constant 0 : i32
      %dma_start3A_210 = tpu.memref_slice %arg12[%dma_start3A_208, %dma_start3A_209] : memref<10240x128xf32, #tpu.memory_space<vmem_shared>> -> memref<10240x128xf32, #tpu.memory_space<vmem_shared>>
      tpu.enqueue_indirect_dma source(%arg9 : memref<64x128xf32, #tpu.memory_space<vmem>>) target(%dma_start3A_210 : memref<10240x128xf32, #tpu.memory_space<vmem_shared>>) offsets(%dma_start3A_207 : memref<64xi32, #tpu.memory_space<vmem>>) semaphore(%arg18 : memref<!tpu.dma_semaphore, #tpu.memory_space<semaphore_mem>>) {add = true}
      %dma_wait3A_211 = arith.constant 5 : i32
      %dma_wait3A_212 = arith.constant 0 : i32
      %dma_wait3A_213 = tpu.memref_slice %arg7[%dma_wait3A_211, %dma_wait3A_212] : memref<16x64xi32, #tpu.memory_space<vmem>> -> memref<1x64xi32, #tpu.memory_space<vmem>>
      %dma_wait3A_214 = tpu.memref_squeeze %dma_wait3A_213 : memref<1x64xi32, #tpu.memory_space<vmem>> -> memref<64xi32, #tpu.memory_space<vmem>>
      %dma_wait3A_215 = arith.constant 0 : i32
      %dma_wait3A_216 = arith.constant 0 : i32
      %dma_wait3A_217 = tpu.memref_slice %arg12[%dma_wait3A_215, %dma_wait3A_216] : memref<10240x128xf32, #tpu.memory_space<vmem_shared>> -> memref<10240x128xf32, #tpu.memory_space<vmem_shared>>
      tpu.wait_indirect_dma semaphore(%arg18 : memref<!tpu.dma_semaphore, #tpu.memory_space<semaphore_mem>>) src(%arg9 : memref<64x128xf32, #tpu.memory_space<vmem>>) dst(%dma_wait3A_217 : memref<10240x128xf32, #tpu.memory_space<vmem_shared>>)
      %dma_start3A_218 = arith.constant 9 : i32
      %dma_start3A_219 = arith.constant 0 : i32
      %dma_start3A_220 = tpu.memref_slice %arg6[%dma_start3A_218, %dma_start3A_219] : memref<16x64xi32, #tpu.memory_space<vmem>> -> memref<1x64xi32, #tpu.memory_space<vmem>>
      %dma_start3A_221 = tpu.memref_squeeze %dma_start3A_220 : memref<1x64xi32, #tpu.memory_space<vmem>> -> memref<64xi32, #tpu.memory_space<vmem>>
      %dma_start3A_222 = arith.constant 0 : i32
      %dma_start3A_223 = arith.constant 0 : i32
      %dma_start3A_224 = tpu.memref_slice %arg2[%dma_start3A_222, %dma_start3A_223] : memref<80000x128xf32, #tpu.memory_space<hbm>> -> memref<80000x128xf32, #tpu.memory_space<hbm>>
      tpu.enqueue_indirect_dma source(%dma_start3A_224 : memref<80000x128xf32, #tpu.memory_space<hbm>>) target(%arg9 : memref<64x128xf32, #tpu.memory_space<vmem>>) offsets(%dma_start3A_221 : memref<64xi32, #tpu.memory_space<vmem>>) semaphore(%arg14 : memref<!tpu.dma_semaphore, #tpu.memory_space<semaphore_mem>>)
      %dma_wait3A_225 = arith.constant 6 : i32
      %dma_wait3A_226 = arith.constant 0 : i32
      %dma_wait3A_227 = tpu.memref_slice %arg6[%dma_wait3A_225, %dma_wait3A_226] : memref<16x64xi32, #tpu.memory_space<vmem>> -> memref<1x64xi32, #tpu.memory_space<vmem>>
      %dma_wait3A_228 = tpu.memref_squeeze %dma_wait3A_227 : memref<1x64xi32, #tpu.memory_space<vmem>> -> memref<64xi32, #tpu.memory_space<vmem>>
      %dma_wait3A_229 = arith.constant 0 : i32
      %dma_wait3A_230 = arith.constant 0 : i32
      %dma_wait3A_231 = tpu.memref_slice %arg2[%dma_wait3A_229, %dma_wait3A_230] : memref<80000x128xf32, #tpu.memory_space<hbm>> -> memref<80000x128xf32, #tpu.memory_space<hbm>>
      tpu.wait_indirect_dma semaphore(%arg15 : memref<!tpu.dma_semaphore, #tpu.memory_space<semaphore_mem>>) src(%dma_wait3A_231 : memref<80000x128xf32, #tpu.memory_space<hbm>>) dst(%arg10 : memref<64x128xf32, #tpu.memory_space<vmem>>)
      %dma_start3A_232 = arith.constant 6 : i32
      %dma_start3A_233 = arith.constant 0 : i32
      %dma_start3A_234 = tpu.memref_slice %arg7[%dma_start3A_232, %dma_start3A_233] : memref<16x64xi32, #tpu.memory_space<vmem>> -> memref<1x64xi32, #tpu.memory_space<vmem>>
      %dma_start3A_235 = tpu.memref_squeeze %dma_start3A_234 : memref<1x64xi32, #tpu.memory_space<vmem>> -> memref<64xi32, #tpu.memory_space<vmem>>
      %dma_start3A_236 = arith.constant 0 : i32
      %dma_start3A_237 = arith.constant 0 : i32
      %dma_start3A_238 = tpu.memref_slice %arg12[%dma_start3A_236, %dma_start3A_237] : memref<10240x128xf32, #tpu.memory_space<vmem_shared>> -> memref<10240x128xf32, #tpu.memory_space<vmem_shared>>
      tpu.enqueue_indirect_dma source(%arg10 : memref<64x128xf32, #tpu.memory_space<vmem>>) target(%dma_start3A_238 : memref<10240x128xf32, #tpu.memory_space<vmem_shared>>) offsets(%dma_start3A_235 : memref<64xi32, #tpu.memory_space<vmem>>) semaphore(%arg19 : memref<!tpu.dma_semaphore, #tpu.memory_space<semaphore_mem>>) {add = true}
      %dma_wait3A_239 = arith.constant 6 : i32
      %dma_wait3A_240 = arith.constant 0 : i32
      %dma_wait3A_241 = tpu.memref_slice %arg7[%dma_wait3A_239, %dma_wait3A_240] : memref<16x64xi32, #tpu.memory_space<vmem>> -> memref<1x64xi32, #tpu.memory_space<vmem>>
      %dma_wait3A_242 = tpu.memref_squeeze %dma_wait3A_241 : memref<1x64xi32, #tpu.memory_space<vmem>> -> memref<64xi32, #tpu.memory_space<vmem>>
      %dma_wait3A_243 = arith.constant 0 : i32
      %dma_wait3A_244 = arith.constant 0 : i32
      %dma_wait3A_245 = tpu.memref_slice %arg12[%dma_wait3A_243, %dma_wait3A_244] : memref<10240x128xf32, #tpu.memory_space<vmem_shared>> -> memref<10240x128xf32, #tpu.memory_space<vmem_shared>>
      tpu.wait_indirect_dma semaphore(%arg19 : memref<!tpu.dma_semaphore, #tpu.memory_space<semaphore_mem>>) src(%arg10 : memref<64x128xf32, #tpu.memory_space<vmem>>) dst(%dma_wait3A_245 : memref<10240x128xf32, #tpu.memory_space<vmem_shared>>)
      %dma_start3A_246 = arith.constant 10 : i32
      %dma_start3A_247 = arith.constant 0 : i32
      %dma_start3A_248 = tpu.memref_slice %arg6[%dma_start3A_246, %dma_start3A_247] : memref<16x64xi32, #tpu.memory_space<vmem>> -> memref<1x64xi32, #tpu.memory_space<vmem>>
      %dma_start3A_249 = tpu.memref_squeeze %dma_start3A_248 : memref<1x64xi32, #tpu.memory_space<vmem>> -> memref<64xi32, #tpu.memory_space<vmem>>
      %dma_start3A_250 = arith.constant 0 : i32
      %dma_start3A_251 = arith.constant 0 : i32
      %dma_start3A_252 = tpu.memref_slice %arg2[%dma_start3A_250, %dma_start3A_251] : memref<80000x128xf32, #tpu.memory_space<hbm>> -> memref<80000x128xf32, #tpu.memory_space<hbm>>
      tpu.enqueue_indirect_dma source(%dma_start3A_252 : memref<80000x128xf32, #tpu.memory_space<hbm>>) target(%arg10 : memref<64x128xf32, #tpu.memory_space<vmem>>) offsets(%dma_start3A_249 : memref<64xi32, #tpu.memory_space<vmem>>) semaphore(%arg15 : memref<!tpu.dma_semaphore, #tpu.memory_space<semaphore_mem>>)
      %dma_wait3A_253 = arith.constant 7 : i32
      %dma_wait3A_254 = arith.constant 0 : i32
      %dma_wait3A_255 = tpu.memref_slice %arg6[%dma_wait3A_253, %dma_wait3A_254] : memref<16x64xi32, #tpu.memory_space<vmem>> -> memref<1x64xi32, #tpu.memory_space<vmem>>
      %dma_wait3A_256 = tpu.memref_squeeze %dma_wait3A_255 : memref<1x64xi32, #tpu.memory_space<vmem>> -> memref<64xi32, #tpu.memory_space<vmem>>
      %dma_wait3A_257 = arith.constant 0 : i32
      %dma_wait3A_258 = arith.constant 0 : i32
      %dma_wait3A_259 = tpu.memref_slice %arg2[%dma_wait3A_257, %dma_wait3A_258] : memref<80000x128xf32, #tpu.memory_space<hbm>> -> memref<80000x128xf32, #tpu.memory_space<hbm>>
      tpu.wait_indirect_dma semaphore(%arg16 : memref<!tpu.dma_semaphore, #tpu.memory_space<semaphore_mem>>) src(%dma_wait3A_259 : memref<80000x128xf32, #tpu.memory_space<hbm>>) dst(%arg11 : memref<64x128xf32, #tpu.memory_space<vmem>>)
      %dma_start3A_260 = arith.constant 7 : i32
      %dma_start3A_261 = arith.constant 0 : i32
      %dma_start3A_262 = tpu.memref_slice %arg7[%dma_start3A_260, %dma_start3A_261] : memref<16x64xi32, #tpu.memory_space<vmem>> -> memref<1x64xi32, #tpu.memory_space<vmem>>
      %dma_start3A_263 = tpu.memref_squeeze %dma_start3A_262 : memref<1x64xi32, #tpu.memory_space<vmem>> -> memref<64xi32, #tpu.memory_space<vmem>>
      %dma_start3A_264 = arith.constant 0 : i32
      %dma_start3A_265 = arith.constant 0 : i32
      %dma_start3A_266 = tpu.memref_slice %arg12[%dma_start3A_264, %dma_start3A_265] : memref<10240x128xf32, #tpu.memory_space<vmem_shared>> -> memref<10240x128xf32, #tpu.memory_space<vmem_shared>>
      tpu.enqueue_indirect_dma source(%arg11 : memref<64x128xf32, #tpu.memory_space<vmem>>) target(%dma_start3A_266 : memref<10240x128xf32, #tpu.memory_space<vmem_shared>>) offsets(%dma_start3A_263 : memref<64xi32, #tpu.memory_space<vmem>>) semaphore(%arg20 : memref<!tpu.dma_semaphore, #tpu.memory_space<semaphore_mem>>) {add = true}
      %dma_wait3A_267 = arith.constant 7 : i32
      %dma_wait3A_268 = arith.constant 0 : i32
      %dma_wait3A_269 = tpu.memref_slice %arg7[%dma_wait3A_267, %dma_wait3A_268] : memref<16x64xi32, #tpu.memory_space<vmem>> -> memref<1x64xi32, #tpu.memory_space<vmem>>
      %dma_wait3A_270 = tpu.memref_squeeze %dma_wait3A_269 : memref<1x64xi32, #tpu.memory_space<vmem>> -> memref<64xi32, #tpu.memory_space<vmem>>
      %dma_wait3A_271 = arith.constant 0 : i32
      %dma_wait3A_272 = arith.constant 0 : i32
      %dma_wait3A_273 = tpu.memref_slice %arg12[%dma_wait3A_271, %dma_wait3A_272] : memref<10240x128xf32, #tpu.memory_space<vmem_shared>> -> memref<10240x128xf32, #tpu.memory_space<vmem_shared>>
      tpu.wait_indirect_dma semaphore(%arg20 : memref<!tpu.dma_semaphore, #tpu.memory_space<semaphore_mem>>) src(%arg11 : memref<64x128xf32, #tpu.memory_space<vmem>>) dst(%dma_wait3A_273 : memref<10240x128xf32, #tpu.memory_space<vmem_shared>>)
      %dma_start3A_274 = arith.constant 11 : i32
      %dma_start3A_275 = arith.constant 0 : i32
      %dma_start3A_276 = tpu.memref_slice %arg6[%dma_start3A_274, %dma_start3A_275] : memref<16x64xi32, #tpu.memory_space<vmem>> -> memref<1x64xi32, #tpu.memory_space<vmem>>
      %dma_start3A_277 = tpu.memref_squeeze %dma_start3A_276 : memref<1x64xi32, #tpu.memory_space<vmem>> -> memref<64xi32, #tpu.memory_space<vmem>>
      %dma_start3A_278 = arith.constant 0 : i32
      %dma_start3A_279 = arith.constant 0 : i32
      %dma_start3A_280 = tpu.memref_slice %arg2[%dma_start3A_278, %dma_start3A_279] : memref<80000x128xf32, #tpu.memory_space<hbm>> -> memref<80000x128xf32, #tpu.memory_space<hbm>>
      tpu.enqueue_indirect_dma source(%dma_start3A_280 : memref<80000x128xf32, #tpu.memory_space<hbm>>) target(%arg11 : memref<64x128xf32, #tpu.memory_space<vmem>>) offsets(%dma_start3A_277 : memref<64xi32, #tpu.memory_space<vmem>>) semaphore(%arg16 : memref<!tpu.dma_semaphore, #tpu.memory_space<semaphore_mem>>)
      %dma_wait3A_281 = arith.constant 8 : i32
      %dma_wait3A_282 = arith.constant 0 : i32
      %dma_wait3A_283 = tpu.memref_slice %arg6[%dma_wait3A_281, %dma_wait3A_282] : memref<16x64xi32, #tpu.memory_space<vmem>> -> memref<1x64xi32, #tpu.memory_space<vmem>>
      %dma_wait3A_284 = tpu.memref_squeeze %dma_wait3A_283 : memref<1x64xi32, #tpu.memory_space<vmem>> -> memref<64xi32, #tpu.memory_space<vmem>>
      %dma_wait3A_285 = arith.constant 0 : i32
      %dma_wait3A_286 = arith.constant 0 : i32
      %dma_wait3A_287 = tpu.memref_slice %arg2[%dma_wait3A_285, %dma_wait3A_286] : memref<80000x128xf32, #tpu.memory_space<hbm>> -> memref<80000x128xf32, #tpu.memory_space<hbm>>
      tpu.wait_indirect_dma semaphore(%arg13 : memref<!tpu.dma_semaphore, #tpu.memory_space<semaphore_mem>>) src(%dma_wait3A_287 : memref<80000x128xf32, #tpu.memory_space<hbm>>) dst(%arg8 : memref<64x128xf32, #tpu.memory_space<vmem>>)
      %dma_start3A_288 = arith.constant 8 : i32
      %dma_start3A_289 = arith.constant 0 : i32
      %dma_start3A_290 = tpu.memref_slice %arg7[%dma_start3A_288, %dma_start3A_289] : memref<16x64xi32, #tpu.memory_space<vmem>> -> memref<1x64xi32, #tpu.memory_space<vmem>>
      %dma_start3A_291 = tpu.memref_squeeze %dma_start3A_290 : memref<1x64xi32, #tpu.memory_space<vmem>> -> memref<64xi32, #tpu.memory_space<vmem>>
      %dma_start3A_292 = arith.constant 0 : i32
      %dma_start3A_293 = arith.constant 0 : i32
      %dma_start3A_294 = tpu.memref_slice %arg12[%dma_start3A_292, %dma_start3A_293] : memref<10240x128xf32, #tpu.memory_space<vmem_shared>> -> memref<10240x128xf32, #tpu.memory_space<vmem_shared>>
      tpu.enqueue_indirect_dma source(%arg8 : memref<64x128xf32, #tpu.memory_space<vmem>>) target(%dma_start3A_294 : memref<10240x128xf32, #tpu.memory_space<vmem_shared>>) offsets(%dma_start3A_291 : memref<64xi32, #tpu.memory_space<vmem>>) semaphore(%arg17 : memref<!tpu.dma_semaphore, #tpu.memory_space<semaphore_mem>>) {add = true}
      %dma_wait3A_295 = arith.constant 8 : i32
      %dma_wait3A_296 = arith.constant 0 : i32
      %dma_wait3A_297 = tpu.memref_slice %arg7[%dma_wait3A_295, %dma_wait3A_296] : memref<16x64xi32, #tpu.memory_space<vmem>> -> memref<1x64xi32, #tpu.memory_space<vmem>>
      %dma_wait3A_298 = tpu.memref_squeeze %dma_wait3A_297 : memref<1x64xi32, #tpu.memory_space<vmem>> -> memref<64xi32, #tpu.memory_space<vmem>>
      %dma_wait3A_299 = arith.constant 0 : i32
      %dma_wait3A_300 = arith.constant 0 : i32
      %dma_wait3A_301 = tpu.memref_slice %arg12[%dma_wait3A_299, %dma_wait3A_300] : memref<10240x128xf32, #tpu.memory_space<vmem_shared>> -> memref<10240x128xf32, #tpu.memory_space<vmem_shared>>
      tpu.wait_indirect_dma semaphore(%arg17 : memref<!tpu.dma_semaphore, #tpu.memory_space<semaphore_mem>>) src(%arg8 : memref<64x128xf32, #tpu.memory_space<vmem>>) dst(%dma_wait3A_301 : memref<10240x128xf32, #tpu.memory_space<vmem_shared>>)
      %dma_start3A_302 = arith.constant 12 : i32
      %dma_start3A_303 = arith.constant 0 : i32
      %dma_start3A_304 = tpu.memref_slice %arg6[%dma_start3A_302, %dma_start3A_303] : memref<16x64xi32, #tpu.memory_space<vmem>> -> memref<1x64xi32, #tpu.memory_space<vmem>>
      %dma_start3A_305 = tpu.memref_squeeze %dma_start3A_304 : memref<1x64xi32, #tpu.memory_space<vmem>> -> memref<64xi32, #tpu.memory_space<vmem>>
      %dma_start3A_306 = arith.constant 0 : i32
      %dma_start3A_307 = arith.constant 0 : i32
      %dma_start3A_308 = tpu.memref_slice %arg2[%dma_start3A_306, %dma_start3A_307] : memref<80000x128xf32, #tpu.memory_space<hbm>> -> memref<80000x128xf32, #tpu.memory_space<hbm>>
      tpu.enqueue_indirect_dma source(%dma_start3A_308 : memref<80000x128xf32, #tpu.memory_space<hbm>>) target(%arg8 : memref<64x128xf32, #tpu.memory_space<vmem>>) offsets(%dma_start3A_305 : memref<64xi32, #tpu.memory_space<vmem>>) semaphore(%arg13 : memref<!tpu.dma_semaphore, #tpu.memory_space<semaphore_mem>>)
      %dma_wait3A_309 = arith.constant 9 : i32
      %dma_wait3A_310 = arith.constant 0 : i32
      %dma_wait3A_311 = tpu.memref_slice %arg6[%dma_wait3A_309, %dma_wait3A_310] : memref<16x64xi32, #tpu.memory_space<vmem>> -> memref<1x64xi32, #tpu.memory_space<vmem>>
      %dma_wait3A_312 = tpu.memref_squeeze %dma_wait3A_311 : memref<1x64xi32, #tpu.memory_space<vmem>> -> memref<64xi32, #tpu.memory_space<vmem>>
      %dma_wait3A_313 = arith.constant 0 : i32
      %dma_wait3A_314 = arith.constant 0 : i32
      %dma_wait3A_315 = tpu.memref_slice %arg2[%dma_wait3A_313, %dma_wait3A_314] : memref<80000x128xf32, #tpu.memory_space<hbm>> -> memref<80000x128xf32, #tpu.memory_space<hbm>>
      tpu.wait_indirect_dma semaphore(%arg14 : memref<!tpu.dma_semaphore, #tpu.memory_space<semaphore_mem>>) src(%dma_wait3A_315 : memref<80000x128xf32, #tpu.memory_space<hbm>>) dst(%arg9 : memref<64x128xf32, #tpu.memory_space<vmem>>)
      %dma_start3A_316 = arith.constant 9 : i32
      %dma_start3A_317 = arith.constant 0 : i32
      %dma_start3A_318 = tpu.memref_slice %arg7[%dma_start3A_316, %dma_start3A_317] : memref<16x64xi32, #tpu.memory_space<vmem>> -> memref<1x64xi32, #tpu.memory_space<vmem>>
      %dma_start3A_319 = tpu.memref_squeeze %dma_start3A_318 : memref<1x64xi32, #tpu.memory_space<vmem>> -> memref<64xi32, #tpu.memory_space<vmem>>
      %dma_start3A_320 = arith.constant 0 : i32
      %dma_start3A_321 = arith.constant 0 : i32
      %dma_start3A_322 = tpu.memref_slice %arg12[%dma_start3A_320, %dma_start3A_321] : memref<10240x128xf32, #tpu.memory_space<vmem_shared>> -> memref<10240x128xf32, #tpu.memory_space<vmem_shared>>
      tpu.enqueue_indirect_dma source(%arg9 : memref<64x128xf32, #tpu.memory_space<vmem>>) target(%dma_start3A_322 : memref<10240x128xf32, #tpu.memory_space<vmem_shared>>) offsets(%dma_start3A_319 : memref<64xi32, #tpu.memory_space<vmem>>) semaphore(%arg18 : memref<!tpu.dma_semaphore, #tpu.memory_space<semaphore_mem>>) {add = true}
      %dma_wait3A_323 = arith.constant 9 : i32
      %dma_wait3A_324 = arith.constant 0 : i32
      %dma_wait3A_325 = tpu.memref_slice %arg7[%dma_wait3A_323, %dma_wait3A_324] : memref<16x64xi32, #tpu.memory_space<vmem>> -> memref<1x64xi32, #tpu.memory_space<vmem>>
      %dma_wait3A_326 = tpu.memref_squeeze %dma_wait3A_325 : memref<1x64xi32, #tpu.memory_space<vmem>> -> memref<64xi32, #tpu.memory_space<vmem>>
      %dma_wait3A_327 = arith.constant 0 : i32
      %dma_wait3A_328 = arith.constant 0 : i32
      %dma_wait3A_329 = tpu.memref_slice %arg12[%dma_wait3A_327, %dma_wait3A_328] : memref<10240x128xf32, #tpu.memory_space<vmem_shared>> -> memref<10240x128xf32, #tpu.memory_space<vmem_shared>>
      tpu.wait_indirect_dma semaphore(%arg18 : memref<!tpu.dma_semaphore, #tpu.memory_space<semaphore_mem>>) src(%arg9 : memref<64x128xf32, #tpu.memory_space<vmem>>) dst(%dma_wait3A_329 : memref<10240x128xf32, #tpu.memory_space<vmem_shared>>)
      %dma_start3A_330 = arith.constant 13 : i32
      %dma_start3A_331 = arith.constant 0 : i32
      %dma_start3A_332 = tpu.memref_slice %arg6[%dma_start3A_330, %dma_start3A_331] : memref<16x64xi32, #tpu.memory_space<vmem>> -> memref<1x64xi32, #tpu.memory_space<vmem>>
      %dma_start3A_333 = tpu.memref_squeeze %dma_start3A_332 : memref<1x64xi32, #tpu.memory_space<vmem>> -> memref<64xi32, #tpu.memory_space<vmem>>
      %dma_start3A_334 = arith.constant 0 : i32
      %dma_start3A_335 = arith.constant 0 : i32
      %dma_start3A_336 = tpu.memref_slice %arg2[%dma_start3A_334, %dma_start3A_335] : memref<80000x128xf32, #tpu.memory_space<hbm>> -> memref<80000x128xf32, #tpu.memory_space<hbm>>
      tpu.enqueue_indirect_dma source(%dma_start3A_336 : memref<80000x128xf32, #tpu.memory_space<hbm>>) target(%arg9 : memref<64x128xf32, #tpu.memory_space<vmem>>) offsets(%dma_start3A_333 : memref<64xi32, #tpu.memory_space<vmem>>) semaphore(%arg14 : memref<!tpu.dma_semaphore, #tpu.memory_space<semaphore_mem>>)
      %dma_wait3A_337 = arith.constant 10 : i32
      %dma_wait3A_338 = arith.constant 0 : i32
      %dma_wait3A_339 = tpu.memref_slice %arg6[%dma_wait3A_337, %dma_wait3A_338] : memref<16x64xi32, #tpu.memory_space<vmem>> -> memref<1x64xi32, #tpu.memory_space<vmem>>
      %dma_wait3A_340 = tpu.memref_squeeze %dma_wait3A_339 : memref<1x64xi32, #tpu.memory_space<vmem>> -> memref<64xi32, #tpu.memory_space<vmem>>
      %dma_wait3A_341 = arith.constant 0 : i32
      %dma_wait3A_342 = arith.constant 0 : i32
      %dma_wait3A_343 = tpu.memref_slice %arg2[%dma_wait3A_341, %dma_wait3A_342] : memref<80000x128xf32, #tpu.memory_space<hbm>> -> memref<80000x128xf32, #tpu.memory_space<hbm>>
      tpu.wait_indirect_dma semaphore(%arg15 : memref<!tpu.dma_semaphore, #tpu.memory_space<semaphore_mem>>) src(%dma_wait3A_343 : memref<80000x128xf32, #tpu.memory_space<hbm>>) dst(%arg10 : memref<64x128xf32, #tpu.memory_space<vmem>>)
      %dma_start3A_344 = arith.constant 10 : i32
      %dma_start3A_345 = arith.constant 0 : i32
      %dma_start3A_346 = tpu.memref_slice %arg7[%dma_start3A_344, %dma_start3A_345] : memref<16x64xi32, #tpu.memory_space<vmem>> -> memref<1x64xi32, #tpu.memory_space<vmem>>
      %dma_start3A_347 = tpu.memref_squeeze %dma_start3A_346 : memref<1x64xi32, #tpu.memory_space<vmem>> -> memref<64xi32, #tpu.memory_space<vmem>>
      %dma_start3A_348 = arith.constant 0 : i32
      %dma_start3A_349 = arith.constant 0 : i32
      %dma_start3A_350 = tpu.memref_slice %arg12[%dma_start3A_348, %dma_start3A_349] : memref<10240x128xf32, #tpu.memory_space<vmem_shared>> -> memref<10240x128xf32, #tpu.memory_space<vmem_shared>>
      tpu.enqueue_indirect_dma source(%arg10 : memref<64x128xf32, #tpu.memory_space<vmem>>) target(%dma_start3A_350 : memref<10240x128xf32, #tpu.memory_space<vmem_shared>>) offsets(%dma_start3A_347 : memref<64xi32, #tpu.memory_space<vmem>>) semaphore(%arg19 : memref<!tpu.dma_semaphore, #tpu.memory_space<semaphore_mem>>) {add = true}
      %dma_wait3A_351 = arith.constant 10 : i32
      %dma_wait3A_352 = arith.constant 0 : i32
      %dma_wait3A_353 = tpu.memref_slice %arg7[%dma_wait3A_351, %dma_wait3A_352] : memref<16x64xi32, #tpu.memory_space<vmem>> -> memref<1x64xi32, #tpu.memory_space<vmem>>
      %dma_wait3A_354 = tpu.memref_squeeze %dma_wait3A_353 : memref<1x64xi32, #tpu.memory_space<vmem>> -> memref<64xi32, #tpu.memory_space<vmem>>
      %dma_wait3A_355 = arith.constant 0 : i32
      %dma_wait3A_356 = arith.constant 0 : i32
      %dma_wait3A_357 = tpu.memref_slice %arg12[%dma_wait3A_355, %dma_wait3A_356] : memref<10240x128xf32, #tpu.memory_space<vmem_shared>> -> memref<10240x128xf32, #tpu.memory_space<vmem_shared>>
      tpu.wait_indirect_dma semaphore(%arg19 : memref<!tpu.dma_semaphore, #tpu.memory_space<semaphore_mem>>) src(%arg10 : memref<64x128xf32, #tpu.memory_space<vmem>>) dst(%dma_wait3A_357 : memref<10240x128xf32, #tpu.memory_space<vmem_shared>>)
      %dma_start3A_358 = arith.constant 14 : i32
      %dma_start3A_359 = arith.constant 0 : i32
      %dma_start3A_360 = tpu.memref_slice %arg6[%dma_start3A_358, %dma_start3A_359] : memref<16x64xi32, #tpu.memory_space<vmem>> -> memref<1x64xi32, #tpu.memory_space<vmem>>
      %dma_start3A_361 = tpu.memref_squeeze %dma_start3A_360 : memref<1x64xi32, #tpu.memory_space<vmem>> -> memref<64xi32, #tpu.memory_space<vmem>>
      %dma_start3A_362 = arith.constant 0 : i32
      %dma_start3A_363 = arith.constant 0 : i32
      %dma_start3A_364 = tpu.memref_slice %arg2[%dma_start3A_362, %dma_start3A_363] : memref<80000x128xf32, #tpu.memory_space<hbm>> -> memref<80000x128xf32, #tpu.memory_space<hbm>>
      tpu.enqueue_indirect_dma source(%dma_start3A_364 : memref<80000x128xf32, #tpu.memory_space<hbm>>) target(%arg10 : memref<64x128xf32, #tpu.memory_space<vmem>>) offsets(%dma_start3A_361 : memref<64xi32, #tpu.memory_space<vmem>>) semaphore(%arg15 : memref<!tpu.dma_semaphore, #tpu.memory_space<semaphore_mem>>)
      %dma_wait3A_365 = arith.constant 11 : i32
      %dma_wait3A_366 = arith.constant 0 : i32
      %dma_wait3A_367 = tpu.memref_slice %arg6[%dma_wait3A_365, %dma_wait3A_366] : memref<16x64xi32, #tpu.memory_space<vmem>> -> memref<1x64xi32, #tpu.memory_space<vmem>>
      %dma_wait3A_368 = tpu.memref_squeeze %dma_wait3A_367 : memref<1x64xi32, #tpu.memory_space<vmem>> -> memref<64xi32, #tpu.memory_space<vmem>>
      %dma_wait3A_369 = arith.constant 0 : i32
      %dma_wait3A_370 = arith.constant 0 : i32
      %dma_wait3A_371 = tpu.memref_slice %arg2[%dma_wait3A_369, %dma_wait3A_370] : memref<80000x128xf32, #tpu.memory_space<hbm>> -> memref<80000x128xf32, #tpu.memory_space<hbm>>
      tpu.wait_indirect_dma semaphore(%arg16 : memref<!tpu.dma_semaphore, #tpu.memory_space<semaphore_mem>>) src(%dma_wait3A_371 : memref<80000x128xf32, #tpu.memory_space<hbm>>) dst(%arg11 : memref<64x128xf32, #tpu.memory_space<vmem>>)
      %dma_start3A_372 = arith.constant 11 : i32
      %dma_start3A_373 = arith.constant 0 : i32
      %dma_start3A_374 = tpu.memref_slice %arg7[%dma_start3A_372, %dma_start3A_373] : memref<16x64xi32, #tpu.memory_space<vmem>> -> memref<1x64xi32, #tpu.memory_space<vmem>>
      %dma_start3A_375 = tpu.memref_squeeze %dma_start3A_374 : memref<1x64xi32, #tpu.memory_space<vmem>> -> memref<64xi32, #tpu.memory_space<vmem>>
      %dma_start3A_376 = arith.constant 0 : i32
      %dma_start3A_377 = arith.constant 0 : i32
      %dma_start3A_378 = tpu.memref_slice %arg12[%dma_start3A_376, %dma_start3A_377] : memref<10240x128xf32, #tpu.memory_space<vmem_shared>> -> memref<10240x128xf32, #tpu.memory_space<vmem_shared>>
      tpu.enqueue_indirect_dma source(%arg11 : memref<64x128xf32, #tpu.memory_space<vmem>>) target(%dma_start3A_378 : memref<10240x128xf32, #tpu.memory_space<vmem_shared>>) offsets(%dma_start3A_375 : memref<64xi32, #tpu.memory_space<vmem>>) semaphore(%arg20 : memref<!tpu.dma_semaphore, #tpu.memory_space<semaphore_mem>>) {add = true}
      %dma_wait3A_379 = arith.constant 11 : i32
      %dma_wait3A_380 = arith.constant 0 : i32
      %dma_wait3A_381 = tpu.memref_slice %arg7[%dma_wait3A_379, %dma_wait3A_380] : memref<16x64xi32, #tpu.memory_space<vmem>> -> memref<1x64xi32, #tpu.memory_space<vmem>>
      %dma_wait3A_382 = tpu.memref_squeeze %dma_wait3A_381 : memref<1x64xi32, #tpu.memory_space<vmem>> -> memref<64xi32, #tpu.memory_space<vmem>>
      %dma_wait3A_383 = arith.constant 0 : i32
      %dma_wait3A_384 = arith.constant 0 : i32
      %dma_wait3A_385 = tpu.memref_slice %arg12[%dma_wait3A_383, %dma_wait3A_384] : memref<10240x128xf32, #tpu.memory_space<vmem_shared>> -> memref<10240x128xf32, #tpu.memory_space<vmem_shared>>
      tpu.wait_indirect_dma semaphore(%arg20 : memref<!tpu.dma_semaphore, #tpu.memory_space<semaphore_mem>>) src(%arg11 : memref<64x128xf32, #tpu.memory_space<vmem>>) dst(%dma_wait3A_385 : memref<10240x128xf32, #tpu.memory_space<vmem_shared>>)
      %dma_start3A_386 = arith.constant 15 : i32
      %dma_start3A_387 = arith.constant 0 : i32
      %dma_start3A_388 = tpu.memref_slice %arg6[%dma_start3A_386, %dma_start3A_387] : memref<16x64xi32, #tpu.memory_space<vmem>> -> memref<1x64xi32, #tpu.memory_space<vmem>>
      %dma_start3A_389 = tpu.memref_squeeze %dma_start3A_388 : memref<1x64xi32, #tpu.memory_space<vmem>> -> memref<64xi32, #tpu.memory_space<vmem>>
      %dma_start3A_390 = arith.constant 0 : i32
      %dma_start3A_391 = arith.constant 0 : i32
      %dma_start3A_392 = tpu.memref_slice %arg2[%dma_start3A_390, %dma_start3A_391] : memref<80000x128xf32, #tpu.memory_space<hbm>> -> memref<80000x128xf32, #tpu.memory_space<hbm>>
      tpu.enqueue_indirect_dma source(%dma_start3A_392 : memref<80000x128xf32, #tpu.memory_space<hbm>>) target(%arg11 : memref<64x128xf32, #tpu.memory_space<vmem>>) offsets(%dma_start3A_389 : memref<64xi32, #tpu.memory_space<vmem>>) semaphore(%arg16 : memref<!tpu.dma_semaphore, #tpu.memory_space<semaphore_mem>>)
      %dma_wait3A_393 = arith.constant 12 : i32
      %dma_wait3A_394 = arith.constant 0 : i32
      %dma_wait3A_395 = tpu.memref_slice %arg6[%dma_wait3A_393, %dma_wait3A_394] : memref<16x64xi32, #tpu.memory_space<vmem>> -> memref<1x64xi32, #tpu.memory_space<vmem>>
      %dma_wait3A_396 = tpu.memref_squeeze %dma_wait3A_395 : memref<1x64xi32, #tpu.memory_space<vmem>> -> memref<64xi32, #tpu.memory_space<vmem>>
      %dma_wait3A_397 = arith.constant 0 : i32
      %dma_wait3A_398 = arith.constant 0 : i32
      %dma_wait3A_399 = tpu.memref_slice %arg2[%dma_wait3A_397, %dma_wait3A_398] : memref<80000x128xf32, #tpu.memory_space<hbm>> -> memref<80000x128xf32, #tpu.memory_space<hbm>>
      tpu.wait_indirect_dma semaphore(%arg13 : memref<!tpu.dma_semaphore, #tpu.memory_space<semaphore_mem>>) src(%dma_wait3A_399 : memref<80000x128xf32, #tpu.memory_space<hbm>>) dst(%arg8 : memref<64x128xf32, #tpu.memory_space<vmem>>)
      %dma_start3A_400 = arith.constant 12 : i32
      %dma_start3A_401 = arith.constant 0 : i32
      %dma_start3A_402 = tpu.memref_slice %arg7[%dma_start3A_400, %dma_start3A_401] : memref<16x64xi32, #tpu.memory_space<vmem>> -> memref<1x64xi32, #tpu.memory_space<vmem>>
      %dma_start3A_403 = tpu.memref_squeeze %dma_start3A_402 : memref<1x64xi32, #tpu.memory_space<vmem>> -> memref<64xi32, #tpu.memory_space<vmem>>
      %dma_start3A_404 = arith.constant 0 : i32
      %dma_start3A_405 = arith.constant 0 : i32
      %dma_start3A_406 = tpu.memref_slice %arg12[%dma_start3A_404, %dma_start3A_405] : memref<10240x128xf32, #tpu.memory_space<vmem_shared>> -> memref<10240x128xf32, #tpu.memory_space<vmem_shared>>
      tpu.enqueue_indirect_dma source(%arg8 : memref<64x128xf32, #tpu.memory_space<vmem>>) target(%dma_start3A_406 : memref<10240x128xf32, #tpu.memory_space<vmem_shared>>) offsets(%dma_start3A_403 : memref<64xi32, #tpu.memory_space<vmem>>) semaphore(%arg17 : memref<!tpu.dma_semaphore, #tpu.memory_space<semaphore_mem>>) {add = true}
      %dma_wait3A_407 = arith.constant 12 : i32
      %dma_wait3A_408 = arith.constant 0 : i32
      %dma_wait3A_409 = tpu.memref_slice %arg7[%dma_wait3A_407, %dma_wait3A_408] : memref<16x64xi32, #tpu.memory_space<vmem>> -> memref<1x64xi32, #tpu.memory_space<vmem>>
      %dma_wait3A_410 = tpu.memref_squeeze %dma_wait3A_409 : memref<1x64xi32, #tpu.memory_space<vmem>> -> memref<64xi32, #tpu.memory_space<vmem>>
      %dma_wait3A_411 = arith.constant 0 : i32
      %dma_wait3A_412 = arith.constant 0 : i32
      %dma_wait3A_413 = tpu.memref_slice %arg12[%dma_wait3A_411, %dma_wait3A_412] : memref<10240x128xf32, #tpu.memory_space<vmem_shared>> -> memref<10240x128xf32, #tpu.memory_space<vmem_shared>>
      tpu.wait_indirect_dma semaphore(%arg17 : memref<!tpu.dma_semaphore, #tpu.memory_space<semaphore_mem>>) src(%arg8 : memref<64x128xf32, #tpu.memory_space<vmem>>) dst(%dma_wait3A_413 : memref<10240x128xf32, #tpu.memory_space<vmem_shared>>)
      %dma_wait3A_414 = arith.constant 13 : i32
      %dma_wait3A_415 = arith.constant 0 : i32
      %dma_wait3A_416 = tpu.memref_slice %arg6[%dma_wait3A_414, %dma_wait3A_415] : memref<16x64xi32, #tpu.memory_space<vmem>> -> memref<1x64xi32, #tpu.memory_space<vmem>>
      %dma_wait3A_417 = tpu.memref_squeeze %dma_wait3A_416 : memref<1x64xi32, #tpu.memory_space<vmem>> -> memref<64xi32, #tpu.memory_space<vmem>>
      %dma_wait3A_418 = arith.constant 0 : i32
      %dma_wait3A_419 = arith.constant 0 : i32
      %dma_wait3A_420 = tpu.memref_slice %arg2[%dma_wait3A_418, %dma_wait3A_419] : memref<80000x128xf32, #tpu.memory_space<hbm>> -> memref<80000x128xf32, #tpu.memory_space<hbm>>
      tpu.wait_indirect_dma semaphore(%arg14 : memref<!tpu.dma_semaphore, #tpu.memory_space<semaphore_mem>>) src(%dma_wait3A_420 : memref<80000x128xf32, #tpu.memory_space<hbm>>) dst(%arg9 : memref<64x128xf32, #tpu.memory_space<vmem>>)
      %dma_start3A_421 = arith.constant 13 : i32
      %dma_start3A_422 = arith.constant 0 : i32
      %dma_start3A_423 = tpu.memref_slice %arg7[%dma_start3A_421, %dma_start3A_422] : memref<16x64xi32, #tpu.memory_space<vmem>> -> memref<1x64xi32, #tpu.memory_space<vmem>>
      %dma_start3A_424 = tpu.memref_squeeze %dma_start3A_423 : memref<1x64xi32, #tpu.memory_space<vmem>> -> memref<64xi32, #tpu.memory_space<vmem>>
      %dma_start3A_425 = arith.constant 0 : i32
      %dma_start3A_426 = arith.constant 0 : i32
      %dma_start3A_427 = tpu.memref_slice %arg12[%dma_start3A_425, %dma_start3A_426] : memref<10240x128xf32, #tpu.memory_space<vmem_shared>> -> memref<10240x128xf32, #tpu.memory_space<vmem_shared>>
      tpu.enqueue_indirect_dma source(%arg9 : memref<64x128xf32, #tpu.memory_space<vmem>>) target(%dma_start3A_427 : memref<10240x128xf32, #tpu.memory_space<vmem_shared>>) offsets(%dma_start3A_424 : memref<64xi32, #tpu.memory_space<vmem>>) semaphore(%arg18 : memref<!tpu.dma_semaphore, #tpu.memory_space<semaphore_mem>>) {add = true}
      %dma_wait3A_428 = arith.constant 13 : i32
      %dma_wait3A_429 = arith.constant 0 : i32
      %dma_wait3A_430 = tpu.memref_slice %arg7[%dma_wait3A_428, %dma_wait3A_429] : memref<16x64xi32, #tpu.memory_space<vmem>> -> memref<1x64xi32, #tpu.memory_space<vmem>>
      %dma_wait3A_431 = tpu.memref_squeeze %dma_wait3A_430 : memref<1x64xi32, #tpu.memory_space<vmem>> -> memref<64xi32, #tpu.memory_space<vmem>>
      %dma_wait3A_432 = arith.constant 0 : i32
      %dma_wait3A_433 = arith.constant 0 : i32
      %dma_wait3A_434 = tpu.memref_slice %arg12[%dma_wait3A_432, %dma_wait3A_433] : memref<10240x128xf32, #tpu.memory_space<vmem_shared>> -> memref<10240x128xf32, #tpu.memory_space<vmem_shared>>
      tpu.wait_indirect_dma semaphore(%arg18 : memref<!tpu.dma_semaphore, #tpu.memory_space<semaphore_mem>>) src(%arg9 : memref<64x128xf32, #tpu.memory_space<vmem>>) dst(%dma_wait3A_434 : memref<10240x128xf32, #tpu.memory_space<vmem_shared>>)
      %dma_wait3A_435 = arith.constant 14 : i32
      %dma_wait3A_436 = arith.constant 0 : i32
      %dma_wait3A_437 = tpu.memref_slice %arg6[%dma_wait3A_435, %dma_wait3A_436] : memref<16x64xi32, #tpu.memory_space<vmem>> -> memref<1x64xi32, #tpu.memory_space<vmem>>
      %dma_wait3A_438 = tpu.memref_squeeze %dma_wait3A_437 : memref<1x64xi32, #tpu.memory_space<vmem>> -> memref<64xi32, #tpu.memory_space<vmem>>
      %dma_wait3A_439 = arith.constant 0 : i32
      %dma_wait3A_440 = arith.constant 0 : i32
      %dma_wait3A_441 = tpu.memref_slice %arg2[%dma_wait3A_439, %dma_wait3A_440] : memref<80000x128xf32, #tpu.memory_space<hbm>> -> memref<80000x128xf32, #tpu.memory_space<hbm>>
      tpu.wait_indirect_dma semaphore(%arg15 : memref<!tpu.dma_semaphore, #tpu.memory_space<semaphore_mem>>) src(%dma_wait3A_441 : memref<80000x128xf32, #tpu.memory_space<hbm>>) dst(%arg10 : memref<64x128xf32, #tpu.memory_space<vmem>>)
      %dma_start3A_442 = arith.constant 14 : i32
      %dma_start3A_443 = arith.constant 0 : i32
      %dma_start3A_444 = tpu.memref_slice %arg7[%dma_start3A_442, %dma_start3A_443] : memref<16x64xi32, #tpu.memory_space<vmem>> -> memref<1x64xi32, #tpu.memory_space<vmem>>
      %dma_start3A_445 = tpu.memref_squeeze %dma_start3A_444 : memref<1x64xi32, #tpu.memory_space<vmem>> -> memref<64xi32, #tpu.memory_space<vmem>>
      %dma_start3A_446 = arith.constant 0 : i32
      %dma_start3A_447 = arith.constant 0 : i32
      %dma_start3A_448 = tpu.memref_slice %arg12[%dma_start3A_446, %dma_start3A_447] : memref<10240x128xf32, #tpu.memory_space<vmem_shared>> -> memref<10240x128xf32, #tpu.memory_space<vmem_shared>>
      tpu.enqueue_indirect_dma source(%arg10 : memref<64x128xf32, #tpu.memory_space<vmem>>) target(%dma_start3A_448 : memref<10240x128xf32, #tpu.memory_space<vmem_shared>>) offsets(%dma_start3A_445 : memref<64xi32, #tpu.memory_space<vmem>>) semaphore(%arg19 : memref<!tpu.dma_semaphore, #tpu.memory_space<semaphore_mem>>) {add = true}
      %dma_wait3A_449 = arith.constant 14 : i32
      %dma_wait3A_450 = arith.constant 0 : i32
      %dma_wait3A_451 = tpu.memref_slice %arg7[%dma_wait3A_449, %dma_wait3A_450] : memref<16x64xi32, #tpu.memory_space<vmem>> -> memref<1x64xi32, #tpu.memory_space<vmem>>
      %dma_wait3A_452 = tpu.memref_squeeze %dma_wait3A_451 : memref<1x64xi32, #tpu.memory_space<vmem>> -> memref<64xi32, #tpu.memory_space<vmem>>
      %dma_wait3A_453 = arith.constant 0 : i32
      %dma_wait3A_454 = arith.constant 0 : i32
      %dma_wait3A_455 = tpu.memref_slice %arg12[%dma_wait3A_453, %dma_wait3A_454] : memref<10240x128xf32, #tpu.memory_space<vmem_shared>> -> memref<10240x128xf32, #tpu.memory_space<vmem_shared>>
      tpu.wait_indirect_dma semaphore(%arg19 : memref<!tpu.dma_semaphore, #tpu.memory_space<semaphore_mem>>) src(%arg10 : memref<64x128xf32, #tpu.memory_space<vmem>>) dst(%dma_wait3A_455 : memref<10240x128xf32, #tpu.memory_space<vmem_shared>>)
      %dma_wait3A_456 = arith.constant 15 : i32
      %dma_wait3A_457 = arith.constant 0 : i32
      %dma_wait3A_458 = tpu.memref_slice %arg6[%dma_wait3A_456, %dma_wait3A_457] : memref<16x64xi32, #tpu.memory_space<vmem>> -> memref<1x64xi32, #tpu.memory_space<vmem>>
      %dma_wait3A_459 = tpu.memref_squeeze %dma_wait3A_458 : memref<1x64xi32, #tpu.memory_space<vmem>> -> memref<64xi32, #tpu.memory_space<vmem>>
      %dma_wait3A_460 = arith.constant 0 : i32
      %dma_wait3A_461 = arith.constant 0 : i32
      %dma_wait3A_462 = tpu.memref_slice %arg2[%dma_wait3A_460, %dma_wait3A_461] : memref<80000x128xf32, #tpu.memory_space<hbm>> -> memref<80000x128xf32, #tpu.memory_space<hbm>>
      tpu.wait_indirect_dma semaphore(%arg16 : memref<!tpu.dma_semaphore, #tpu.memory_space<semaphore_mem>>) src(%dma_wait3A_462 : memref<80000x128xf32, #tpu.memory_space<hbm>>) dst(%arg11 : memref<64x128xf32, #tpu.memory_space<vmem>>)
      %dma_start3A_463 = arith.constant 15 : i32
      %dma_start3A_464 = arith.constant 0 : i32
      %dma_start3A_465 = tpu.memref_slice %arg7[%dma_start3A_463, %dma_start3A_464] : memref<16x64xi32, #tpu.memory_space<vmem>> -> memref<1x64xi32, #tpu.memory_space<vmem>>
      %dma_start3A_466 = tpu.memref_squeeze %dma_start3A_465 : memref<1x64xi32, #tpu.memory_space<vmem>> -> memref<64xi32, #tpu.memory_space<vmem>>
      %dma_start3A_467 = arith.constant 0 : i32
      %dma_start3A_468 = arith.constant 0 : i32
      %dma_start3A_469 = tpu.memref_slice %arg12[%dma_start3A_467, %dma_start3A_468] : memref<10240x128xf32, #tpu.memory_space<vmem_shared>> -> memref<10240x128xf32, #tpu.memory_space<vmem_shared>>
      tpu.enqueue_indirect_dma source(%arg11 : memref<64x128xf32, #tpu.memory_space<vmem>>) target(%dma_start3A_469 : memref<10240x128xf32, #tpu.memory_space<vmem_shared>>) offsets(%dma_start3A_466 : memref<64xi32, #tpu.memory_space<vmem>>) semaphore(%arg20 : memref<!tpu.dma_semaphore, #tpu.memory_space<semaphore_mem>>) {add = true}
      %dma_wait3A_470 = arith.constant 15 : i32
      %dma_wait3A_471 = arith.constant 0 : i32
      %dma_wait3A_472 = tpu.memref_slice %arg7[%dma_wait3A_470, %dma_wait3A_471] : memref<16x64xi32, #tpu.memory_space<vmem>> -> memref<1x64xi32, #tpu.memory_space<vmem>>
      %dma_wait3A_473 = tpu.memref_squeeze %dma_wait3A_472 : memref<1x64xi32, #tpu.memory_space<vmem>> -> memref<64xi32, #tpu.memory_space<vmem>>
      %dma_wait3A_474 = arith.constant 0 : i32
      %dma_wait3A_475 = arith.constant 0 : i32
      %dma_wait3A_476 = tpu.memref_slice %arg12[%dma_wait3A_474, %dma_wait3A_475] : memref<10240x128xf32, #tpu.memory_space<vmem_shared>> -> memref<10240x128xf32, #tpu.memory_space<vmem_shared>>
      tpu.wait_indirect_dma semaphore(%arg20 : memref<!tpu.dma_semaphore, #tpu.memory_space<semaphore_mem>>) src(%arg11 : memref<64x128xf32, #tpu.memory_space<vmem>>) dst(%dma_wait3A_476 : memref<10240x128xf32, #tpu.memory_space<vmem_shared>>)
    }
    %scan3A_15 = arith.constant 10 : i32
    %barrier3A_16 = arith.constant 0 : index
    tpu.barrier barrier_id(%barrier3A_16)
    %scan3A_17 = arith.constant 0 : i32
    %scan3A_18 = arith.constant 5 : i32
    %scan3A_19 = arith.addi %scan3A_17, %scan3A_18 : i32
    %scan3A_20 = arith.constant 1 : i32
    scf.for %scan3A_22 = %scan3A_17 to %scan3A_19 step %scan3A_20  : i32 {
      %mul3A_23 = arith.constant 1 : i32
      %mul3A_24 = arith.muli %scan3A_22, %mul3A_23 : i32
      %add3A_25 = arith.constant 0 : i32
      %add3A_26 = arith.addi %add3A_25, %mul3A_24 : i32
      %mul3A_27 = arith.constant 640 : i32
      %mul3A_28 = arith.muli %arg1, %mul3A_27 : i32
      %mul3A_29 = arith.constant 128 : i32
      %mul3A_30 = arith.muli %add3A_26, %mul3A_29 : i32
      %add3A_31 = arith.addi %mul3A_28, %mul3A_30 : i32
      "tpu.region"() ({
        %run_scoped3A = tpu.sem_alloc : memref<!tpu.dma_semaphore, #tpu.memory_space<semaphore_mem>>
        %dma_start3A = arith.constant 0 : i32
        %dma_start3A_32 = tpu.memref_slice %arg5[%arg0, %add3A_31, %dma_start3A] : memref<2x10240x128xf32, #tpu.memory_space<hbm>> -> memref<1x128x128xf32, #tpu.memory_space<hbm>>
        %dma_start3A_33 = tpu.memref_squeeze %dma_start3A_32 : memref<1x128x128xf32, #tpu.memory_space<hbm>> -> memref<128x128xf32, #tpu.memory_space<hbm>>
        %dma_start3A_34 = arith.constant 0 : i32
        %dma_start3A_35 = tpu.memref_slice %arg12[%add3A_31, %dma_start3A_34] : memref<10240x128xf32, #tpu.memory_space<vmem_shared>> -> memref<128x128xf32, #tpu.memory_space<vmem_shared>>
        tpu.enqueue_dma source(%dma_start3A_35 : memref<128x128xf32, #tpu.memory_space<vmem_shared>>) target(%dma_start3A_33 : memref<128x128xf32, #tpu.memory_space<hbm>>) target_semaphore(%run_scoped3A : memref<!tpu.dma_semaphore, #tpu.memory_space<semaphore_mem>>)
        %dma_wait3A = arith.constant 0 : i32
        %dma_wait3A_36 = tpu.memref_slice %arg5[%arg0, %add3A_31, %dma_wait3A] : memref<2x10240x128xf32, #tpu.memory_space<hbm>> -> memref<1x128x128xf32, #tpu.memory_space<hbm>>
        %dma_wait3A_37 = tpu.memref_squeeze %dma_wait3A_36 : memref<1x128x128xf32, #tpu.memory_space<hbm>> -> memref<128x128xf32, #tpu.memory_space<hbm>>
        %dma_wait3A_38 = arith.constant 0 : i32
        %dma_wait3A_39 = tpu.memref_slice %arg12[%add3A_31, %dma_wait3A_38] : memref<10240x128xf32, #tpu.memory_space<vmem_shared>> -> memref<128x128xf32, #tpu.memory_space<vmem_shared>>
        tpu.wait_dma2 semaphore(%run_scoped3A : memref<!tpu.dma_semaphore, #tpu.memory_space<semaphore_mem>>) src(%dma_wait3A_39 : memref<128x128xf32, #tpu.memory_space<vmem_shared>>) dst(%dma_wait3A_37 : memref<128x128xf32, #tpu.memory_space<hbm>>)
        tpu.yield
      }) : () -> ()
    }
    %scan3A_21 = arith.constant 5 : i32
    return
  }
}

module attributes {stable_mosaic.version = 14 : i64} {
  func.func @_yy_body(%arg0: i32, %arg1: i32, %arg2: memref<400x128xf32, #tpu.memory_space<vmem>>, %arg3: memref<1x128x128xf32, #tpu.memory_space<vmem>>, %arg4: memref<400x128xf32, #tpu.memory_space<vmem>>) attributes {dimension_semantics = [#tpu.dimension_semantics<arbitrary>, #tpu.dimension_semantics<arbitrary>], iteration_bounds = array<i64: 8, 25>, scalar_prefetch = 0 : i64, scratch_operands = 0 : i64, tpu.core_type = #tpu.core_type<tc>, window_params = [{transform_indices = @transform_0, window_bounds = array<i64: 400, 128>}, {transform_indices = @transform_1, window_bounds = array<i64: 1, 128, 128>}, {transform_indices = @transform_2, window_bounds = array<i64: 400, 128>}]} {
    %get3A = arith.constant 0 : index
    %get3A_0 = arith.constant 0 : index
    %get3A_1 = vector.load %arg2[%get3A, %get3A_0] : memref<400x128xf32, #tpu.memory_space<vmem>>, vector<400x128xf32>
    %get3A_2 = arith.constant 0 : index
    %get3A_3 = arith.constant 0 : index
    %get3A_4 = arith.constant 0 : index
    %get3A_5 = vector.load %arg3[%get3A_2, %get3A_3, %get3A_4] : memref<1x128x128xf32, #tpu.memory_space<vmem>>, vector<1x128x128xf32>
    %get3A_6 = vector.shape_cast %get3A_5 : vector<1x128x128xf32> to vector<128x128xf32>
    %dot_general3A = arith.constant dense<0.000000e+00> : vector<400x128xf32>
    %dot_general3A_7 = tpu.matmul %get3A_1, %get3A_6, %dot_general3A {dimension_numbers = #tpu.dot_dimension_numbers<[1], [1], [0], [0], [0, 0, 1, 0], [], []>, transpose_lhs_hint = false} : vector<400x128xf32>, vector<128x128xf32>, vector<400x128xf32> -> vector<400x128xf32>
    %swap3A = arith.constant 0 : index
    %swap3A_8 = arith.constant 0 : index
    %swap3A_9 = vector.load %arg4[%swap3A, %swap3A_8] : memref<400x128xf32, #tpu.memory_space<vmem>>, vector<400x128xf32>
    tpu.vector_store %arg4[%swap3A, %swap3A_8], %dot_general3A_7 {strides = array<i32>} : memref<400x128xf32, #tpu.memory_space<vmem>>, vector<400x128xf32>,
    return
  }
  func.func @transform_0(%arg0: i32, %arg1: i32) -> (i32, i32) {
    %c0_i32 = arith.constant 0 : i32
    %c0_i32_0 = arith.constant 0 : i32
    return %arg1, %c0_i32 : i32, i32
  }
  func.func @transform_1(%arg0: i32, %arg1: i32) -> (i32, i32, i32) {
    %c0_i32 = arith.constant 0 : i32
    %c0_i32_0 = arith.constant 0 : i32
    %c0_i32_1 = arith.constant 0 : i32
    return %arg0, %c0_i32, %c0_i32_0 : i32, i32, i32
  }
  func.func @transform_2(%arg0: i32, %arg1: i32) -> (i32, i32) {
    %mul3A = arith.constant 25 : i32
    %mul3A_0 = arith.muli %arg0, %mul3A : i32
    %add3A = arith.addi %mul3A_0, %arg1 : i32
    %c0_i32 = arith.constant 0 : i32
    %c0_i32_1 = arith.constant 0 : i32
    return %add3A, %c0_i32 : i32, i32
  }
}

module attributes {stable_mosaic.version = 14 : i64} {
  func.func @_combine_body(%arg0: i32, %arg1: memref<2x400x128xf32, #tpu.memory_space<vmem>>, %arg2: memref<2x400x16xf32, #tpu.memory_space<vmem>>, %arg3: memref<4x400x128xf32, #tpu.memory_space<vmem>>, %arg4: memref<400x128xf32, #tpu.memory_space<vmem>>) attributes {dimension_semantics = [#tpu.dimension_semantics<arbitrary>], iteration_bounds = array<i64: 25>, scalar_prefetch = 0 : i64, scratch_operands = 0 : i64, tpu.core_type = #tpu.core_type<tc>, window_params = [{transform_indices = @transform_0, window_bounds = array<i64: 2, 400, 128>}, {transform_indices = @transform_1, window_bounds = array<i64: 2, 400, 16>}, {transform_indices = @transform_2, window_bounds = array<i64: 4, 400, 128>}, {transform_indices = @transform_3, window_bounds = array<i64: 400, 128>}]} {
    %get3A = arith.constant 0 : index
    %get3A_0 = arith.constant 0 : index
    %get3A_1 = arith.constant 0 : index
    %get3A_2 = vector.load %arg2[%get3A, %get3A_0, %get3A_1] : memref<2x400x16xf32, #tpu.memory_space<vmem>>, vector<1x400x16xf32>
    %get3A_3 = vector.shape_cast %get3A_2 : vector<1x400x16xf32> to vector<400x16xf32>
    %get3A_4 = arith.constant 1 : index
    %get3A_5 = arith.constant 0 : index
    %get3A_6 = arith.constant 0 : index
    %get3A_7 = vector.load %arg2[%get3A_4, %get3A_5, %get3A_6] : memref<2x400x16xf32, #tpu.memory_space<vmem>>, vector<1x400x16xf32>
    %get3A_8 = vector.shape_cast %get3A_7 : vector<1x400x16xf32> to vector<400x16xf32>
    %add3A = arith.addf %get3A_3, %get3A_8 : vector<400x16xf32>
    %get3A_9 = arith.constant 0 : index
    %get3A_10 = arith.constant 0 : index
    %get3A_11 = arith.constant 0 : index
    %get3A_12 = vector.load %arg1[%get3A_9, %get3A_10, %get3A_11] : memref<2x400x128xf32, #tpu.memory_space<vmem>>, vector<1x400x128xf32>
    %get3A_13 = vector.shape_cast %get3A_12 : vector<1x400x128xf32> to vector<400x128xf32>
    %get3A_14 = arith.constant 1 : index
    %get3A_15 = arith.constant 0 : index
    %get3A_16 = arith.constant 0 : index
    %get3A_17 = vector.load %arg1[%get3A_14, %get3A_15, %get3A_16] : memref<2x400x128xf32, #tpu.memory_space<vmem>>, vector<1x400x128xf32>
    %get3A_18 = vector.shape_cast %get3A_17 : vector<1x400x128xf32> to vector<400x128xf32>
    %add3A_19 = arith.addf %get3A_13, %get3A_18 : vector<400x128xf32>
    %slice3A = vector.extract_strided_slice %add3A {offsets = [0, 0], sizes = [400, 1], strides = [1, 1]} : vector<400x16xf32> to vector<400x1xf32>
    %get3A_20 = arith.constant 0 : index
    %get3A_21 = arith.constant 0 : index
    %get3A_22 = arith.constant 0 : index
    %get3A_23 = vector.load %arg3[%get3A_20, %get3A_21, %get3A_22] : memref<4x400x128xf32, #tpu.memory_space<vmem>>, vector<1x400x128xf32>
    %get3A_24 = vector.shape_cast %get3A_23 : vector<1x400x128xf32> to vector<400x128xf32>
    %mul3A = vector.broadcast %slice3A : vector<400x1xf32> to vector<400x128xf32>
    %mul3A_25 = arith.mulf %mul3A, %get3A_24 : vector<400x128xf32>
    %add3A_26 = arith.addf %add3A_19, %mul3A_25 : vector<400x128xf32>
    %slice3A_27 = vector.extract_strided_slice %add3A {offsets = [0, 1], sizes = [400, 1], strides = [1, 1]} : vector<400x16xf32> to vector<400x1xf32>
    %get3A_28 = arith.constant 1 : index
    %get3A_29 = arith.constant 0 : index
    %get3A_30 = arith.constant 0 : index
    %get3A_31 = vector.load %arg3[%get3A_28, %get3A_29, %get3A_30] : memref<4x400x128xf32, #tpu.memory_space<vmem>>, vector<1x400x128xf32>
    %get3A_32 = vector.shape_cast %get3A_31 : vector<1x400x128xf32> to vector<400x128xf32>
    %mul3A_33 = vector.broadcast %slice3A_27 : vector<400x1xf32> to vector<400x128xf32>
    %mul3A_34 = arith.mulf %mul3A_33, %get3A_32 : vector<400x128xf32>
    %add3A_35 = arith.addf %add3A_26, %mul3A_34 : vector<400x128xf32>
    %slice3A_36 = vector.extract_strided_slice %add3A {offsets = [0, 2], sizes = [400, 1], strides = [1, 1]} : vector<400x16xf32> to vector<400x1xf32>
    %get3A_37 = arith.constant 2 : index
    %get3A_38 = arith.constant 0 : index
    %get3A_39 = arith.constant 0 : index
    %get3A_40 = vector.load %arg3[%get3A_37, %get3A_38, %get3A_39] : memref<4x400x128xf32, #tpu.memory_space<vmem>>, vector<1x400x128xf32>
    %get3A_41 = vector.shape_cast %get3A_40 : vector<1x400x128xf32> to vector<400x128xf32>
    %mul3A_42 = vector.broadcast %slice3A_36 : vector<400x1xf32> to vector<400x128xf32>
    %mul3A_43 = arith.mulf %mul3A_42, %get3A_41 : vector<400x128xf32>
    %add3A_44 = arith.addf %add3A_35, %mul3A_43 : vector<400x128xf32>
    %slice3A_45 = vector.extract_strided_slice %add3A {offsets = [0, 3], sizes = [400, 1], strides = [1, 1]} : vector<400x16xf32> to vector<400x1xf32>
    %get3A_46 = arith.constant 3 : index
    %get3A_47 = arith.constant 0 : index
    %get3A_48 = arith.constant 0 : index
    %get3A_49 = vector.load %arg3[%get3A_46, %get3A_47, %get3A_48] : memref<4x400x128xf32, #tpu.memory_space<vmem>>, vector<1x400x128xf32>
    %get3A_50 = vector.shape_cast %get3A_49 : vector<1x400x128xf32> to vector<400x128xf32>
    %mul3A_51 = vector.broadcast %slice3A_45 : vector<400x1xf32> to vector<400x128xf32>
    %mul3A_52 = arith.mulf %mul3A_51, %get3A_50 : vector<400x128xf32>
    %add3A_53 = arith.addf %add3A_44, %mul3A_52 : vector<400x128xf32>
    %swap3A = arith.constant 0 : index
    %swap3A_54 = arith.constant 0 : index
    %swap3A_55 = vector.load %arg4[%swap3A, %swap3A_54] : memref<400x128xf32, #tpu.memory_space<vmem>>, vector<400x128xf32>
    tpu.vector_store %arg4[%swap3A, %swap3A_54], %add3A_53 {strides = array<i32>} : memref<400x128xf32, #tpu.memory_space<vmem>>, vector<400x128xf32>,
    return
  }
  func.func @transform_0(%arg0: i32) -> (i32, i32, i32) {
    %c0_i32 = arith.constant 0 : i32
    %c0_i32_0 = arith.constant 0 : i32
    %c0_i32_1 = arith.constant 0 : i32
    return %c0_i32, %arg0, %c0_i32_0 : i32, i32, i32
  }
  func.func @transform_1(%arg0: i32) -> (i32, i32, i32) {
    %c0_i32 = arith.constant 0 : i32
    %c0_i32_0 = arith.constant 0 : i32
    %c0_i32_1 = arith.constant 0 : i32
    return %c0_i32, %arg0, %c0_i32_0 : i32, i32, i32
  }
  func.func @transform_2(%arg0: i32) -> (i32, i32, i32) {
    %c0_i32 = arith.constant 0 : i32
    %c0_i32_0 = arith.constant 0 : i32
    %c0_i32_1 = arith.constant 0 : i32
    return %c0_i32, %arg0, %c0_i32_0 : i32, i32, i32
  }
  func.func @transform_3(%arg0: i32) -> (i32, i32) {
    %c0_i32 = arith.constant 0 : i32
    %c0_i32_0 = arith.constant 0 : i32
    return %arg0, %c0_i32 : i32, i32
  }
}

</mosaic_0001>

<sc_bundles>
// kernel: kernel.6.cloned.1.call-start
scs
__scs_entry_jumppad:
0x0: {  	(pc) =	sbr.rel $0x88, $3  }
0x1: {  	(tag) =	ssettag $0x0;
	lr =	simm.s32 $0x1  }
0x2: {  	[smem:$0x3F9E] =	sst lr;
	_ =	strace $0xD0000000  }
0x3: {  	_ = 	snop  }
0x4: {  	_ = 	snop  }
0x5: {  	_ = 	snop  }
0x6: {  	_ = 	snop  }
0x7: {  	_ = 	snop  }
__scs_overlays_trampoline_lowered:
0x8: {  	[smem:$0x3FAD] =	sst s0  }
0x9: {  	[smem:$0x3FAE] =	sst s1  }
0xa: {  	[smem:$0x3FAF] =	sst s2  }
0xb: {  	[smem:$0x3FB0] =	sst s3  }
0xc: {  	[smem:$0x3FB1] =	sst s4  }
0xd: {  	[smem:$0x3FB2] =	sst s5  }
0xe: {  	[smem:$0x3FB3] =	sst s6  }
0xf: {  	[smem:$0x3FB4] =	sst s7  }
0x10: {  	[smem:$0x3FB5] =	sst s8  }
0x11: {  	[smem:$0x3FB6] =	sst s9;
	s0 =	simm.s32 @!p0 $0x0  }
0x12: {  	s1 =	sld [smem:$0x3F9C];
	s0 =	simm.s32 @p0 $0x1  }
0x13: {  	[smem:$0x3FB7] =	sst s0;
	s0 =	simm.s32 @!p1 $0x0  }
0x14: {  	s2 =	sld [smem:$0x3F9B];
	s0 =	simm.s32 @p1 $0x1  }
0x15: {  	[smem:$0x3FB8] =	sst s0;
	s0 =	simm.s32 @!p2 $0x0  }
0x16: {  	s3 =	sld [smem:$0x3FDB];
	s0 =	simm.s32 @p2 $0x1  }
0x17: {  	s4 =	simm.s32 $0x1BF5;
	[smem:$0x3FBA] =	sst s0  }
0x18: {  	s0 =	sld [smem:$0x3F9D];
	_ =	swait.ge [sflag:s4], $0x0  }
0x19: {  	s7 =	sld [smem:$0x3F9E]  }
0x1a: {  	s8 =	sadd.s32 $0xFFFFE003, lr  }
0x1b: {  	s9 =	sadd.s32 $0xFFFFFEF7, lr;
	s5 =	simm.s32 $0xFFFFFFFF;
	p2 =	slt.u32 s8, $0xFFFFF086  }
0x1c: {  	p1 =	slt.u32 s9, $0xF7A;
	s5 =	simm.s32 @!p2 $0x0  }
0x1d: {  	s5 =	simm.s32 @p1 $0x1;
	p0 =	seq.s32 s7, s2  }
0x1e: {  	s7 =	smul.u32 @!p0 $0xF7A, s2;
	p2 =	seq.s32 @!p0 s5, $0x0  }
0x1f: {  	s9 =	smul.u32 $0xF7A, s1;
	s8 =	simm.s32 @!p0 $0x1BF5;
	p2 =	por !p2, p0  }
0x20: {  	[sflag:s8] =	ssyncset.s32 @!p0 $0xFFFFF086;
	s6 =	sadd.s32 @!p0 s3, s7;
	s7 =	simm.s32 @!p0 $0x108  }
0x21: {  	s3 =	sadd.s32 s3, s9;
	s6 =	sadd.s32 @!p0 $0x88, s6;
	s7 =	simm.s32 @p2 $0x1082  }
0x22: {  	[simem:s7], [sflag:s8] =	dma.local @!p0 [hbm:s6], $0xF7A  }
0x23: {  	s9 =	sor.u32 $0xD0000000, s2;
	s6 =	simm.s32 $0x108;
	_ =	swait.ge @!p0 [sflag:s8], $0x0  }
0x24: {  	s3 =	sadd.s32 $0x88, s3;
	s6 =	simm.s32 @!p1 $0x1082;
	[sflag:s4] =	ssyncset.s32 $0xFFFFF086  }
0x25: {  	[simem:s6], [sflag:s4] =	dma.local [hbm:s3], $0xF7A  }
0x26: {  	[smem:$0x3F9E] =	sst s1;
	(tag) =	ssettag s2;
	_ =	strace s9  }
0x27: {  	s1 =	sld [smem:$0x3FAE]  }
0x28: {  	s2 =	sld [smem:$0x3FAF]  }
0x29: {  	s4 =	sld [smem:$0x3FB1]  }
0x2a: {  	p0 =	seq.s32 s5, $0x0;
	s5 =	sld [smem:$0x3FB2]  }
0x2b: {  	s6 =	sld [smem:$0x3FB3]  }
0x2c: {  	s7 =	sld [smem:$0x3FB4]  }
0x2d: {  	s3 =	simm.s32 $0x108;
	s8 =	sld [smem:$0x3FB5]  }
0x2e: {  	s3 =	simm.s32 @!p0 $0x1082;
	s9 =	sld [smem:$0x3FB6]  }
0x2f: {  	lr =	sadd.s32 s0, s3;
	s0 =	sld [smem:$0x3FAD]  }
0x30: {  	s3 =	sld [smem:$0x3FB0]  }
0x31: {  	[smem:$0x3FB9] =	sst s10  }
0x32: {  	s10 =	sld [smem:$0x3FB7];
	_ =	sdelay $0x3  }
0x33: {  	p0 =	seq.s32 s10, $0x1;
	s10 =	sld [smem:$0x3FB9];
	_ =	sdelay $0x3  }
0x34: {  	[smem:$0x3FB9] =	sst s10  }
0x35: {  	s10 =	sld [smem:$0x3FB8];
	_ =	sdelay $0x3  }
0x36: {  	p1 =	seq.s32 s10, $0x1;
	s10 =	sld [smem:$0x3FB9];
	_ =	sdelay $0x3  }
0x37: {  	[smem:$0x3FB9] =	sst s10  }
0x38: {  	s10 =	sld [smem:$0x3FBA]  }
0x39: {  	_ = 	snop;
	(pc) =	sbr.ind lr, $3  }
0x3a: {  	_ = 	snop  }
0x3b: {  	_ = 	snop  }
0x3c: {  	p2 =	seq.s32 s10, $0x1;
	s10 =	sld [smem:$0x3FB9]  }
0x3d: {  	_ =	shalt  }
0x3e: {  	_ =	shalt  }
0x3f: {  	_ =	shalt  }
0x40: {  	_ =	shalt  }
0x41: {  	_ =	shalt  }
0x42: {  	_ =	shalt  }
0x43: {  	_ =	shalt  }
0x44: {  	_ =	shalt  }
0x45: {  	_ =	shalt  }
0x46: {  	_ =	shalt  }
0x47: {  	_ =	shalt  }
0x48: {  	_ =	shalt  }
0x49: {  	_ =	shalt  }
0x4a: {  	_ =	shalt  }
0x4b: {  	_ =	shalt  }
0x4c: {  	_ =	shalt  }
0x4d: {  	_ =	shalt  }
0x4e: {  	_ =	shalt  }
0x4f: {  	_ =	shalt  }
0x50: {  	_ =	shalt  }
0x51: {  	_ =	shalt  }
0x52: {  	_ =	shalt  }
0x53: {  	_ =	shalt  }
0x54: {  	_ =	shalt  }
0x55: {  	_ =	shalt  }
0x56: {  	_ =	shalt  }
0x57: {  	_ =	shalt  }
0x58: {  	_ =	shalt  }
0x59: {  	_ =	shalt  }
0x5a: {  	_ =	shalt  }
0x5b: {  	_ =	shalt  }
0x5c: {  	_ =	shalt  }
0x5d: {  	_ =	shalt  }
0x5e: {  	_ =	shalt  }
0x5f: {  	_ =	shalt  }
0x60: {  	_ =	shalt  }
0x61: {  	_ =	shalt  }
0x62: {  	_ =	shalt  }
0x63: {  	_ =	shalt  }
0x64: {  	_ =	shalt  }
0x65: {  	_ =	shalt  }
0x66: {  	_ =	shalt  }
0x67: {  	_ =	shalt  }
0x68: {  	_ =	shalt  }
0x69: {  	_ =	shalt  }
0x6a: {  	_ =	shalt  }
0x6b: {  	_ =	shalt  }
0x6c: {  	_ =	shalt  }
0x6d: {  	_ =	shalt  }
0x6e: {  	_ =	shalt  }
0x6f: {  	_ =	shalt  }
0x70: {  	_ =	shalt  }
0x71: {  	_ =	shalt  }
0x72: {  	_ =	shalt  }
0x73: {  	_ =	shalt  }
0x74: {  	_ =	shalt  }
0x75: {  	_ =	shalt  }
0x76: {  	_ =	shalt  }
0x77: {  	_ =	shalt  }
0x78: {  	_ =	shalt  }
0x79: {  	_ =	shalt  }
0x7a: {  	_ =	shalt  }
0x7b: {  	_ =	shalt  }
0x7c: {  	_ =	shalt  }
0x7d: {  	_ =	shalt  }
0x7e: {  	_ =	shalt  }
0x7f: {  	_ =	shalt  }
0x80: {  	_ =	shalt  }
0x81: {  	_ =	shalt  }
0x82: {  	_ =	shalt  }
0x83: {  	_ =	shalt  }
0x84: {  	_ =	shalt  }
0x85: {  	_ =	shalt  }
0x86: {  	_ =	shalt  }
0x87: {  	_ =	shalt  }
.Lfunc_end0:
.L_simem_size_0:
called_computation_lowered:
.L_overlay_start_0:
0x88: {  	s2 =	sld [smem:$0x3FD9]  }
0x89: {  	s3 =	sld [smem:$0x3FFE];
	_ =	sdelay $0x1  }
0x8a: {  	s1 =	srdreg.scid  }
0x8b: {  	s0 =	sand.u32 $0x1, s1  }
0x8c: {  	s16 =	sshll.u32 s0, $0xA;
	s2 =	sadd.s32 s3, s2  }
0x8d: {  	s2 =	sadd.s32 s2, s16  }
0x8e: {  	[smem:$0x3FC5] =	sst s2  }
0x8f: {  	_ = 	snop  }
0x90: {  	(tm) =	ssettm $0x1  }
0x91: {  	s17 =	sld [smem:$0x3FFB];
	_ =	sdelay $0x3  }
0x92: {  	_ =	strace s17  }
0x93: {  	s2 =	sld [smem:$0x3FFC];
	_ =	sdelay $0x3  }
0x94: {  	_ =	strace s2  }
0x95: {  	s2 =	sld [smem:$0x3FFD];
	_ =	sdelay $0x3  }
0x96: {  	_ =	strace s2  }
0x97: {  	_ =	strace $0x8FFFFFFF  }
0x98: {  	s18 =	sld [smem:$0x3FDB];
	_ =	sdelay $0x1  }
0x99: {  	s19 =	simm.s32 $_scs_section_size  }
0x9a: {  	s4 =	simm.s32 $_size__tile_overlayer_lowered;
	s5 =	simm.s32 $_tile_overlayer_lowered  }
0x9b: {  	s22 =	simm.s32 $0x1BFF;
	s21 =	sshll.u32 s5, $0x1;
	s2 =	sadd.s32 s19, s18  }
0x9c: {  	s6 =	simm.s32 $0x0;
	s20 =	sshll.u32 s4, $0x1;
	s4 =	sadd.s32 s21, s2  }
0x9d: {  	[timem:s6], [sflag:s22] =	dma.local [hbm:s4], s20  }
0x9e: {  	_ =	swait.ge [sflag:s22], s20  }
0x9f: {  	s3 =	ssub.s32 $0x0, s20;
	[sflag:s22] =	ssyncset.done $0x0  }
0xa0: {  	[sflag:s22] =	ssyncadd.s32 s3;
	_ =	sdelay $0x1  }
0xa1: {  	s23 =	simm.s32 $0x1B8B  }
0xa2: {  	_ =	swait.ge [sflag:s23], $0x1  }
0xa3: {  	[sflag:s23] =	ssyncset.done $0x0  }
0xa4: {  	s25 =	simm.s32 $0x1B8E;
	s24 =	sld [smem:$0x3FFE];
	[sflag:s23] =	ssyncadd.s32 $0xFFFFFFFF  }
0xa5: {  	s26 =	simm.s32 $execute0_lowered;
	[smem:$0x3FD2] =	sst s25  }
0xa6: {  	s4 =	sshll.u32 s26, $0x1;
	_ =	strace $0x80000046;
	[dreg:$0x1] =	wrdreg $0xFFFFFFFF  }
0xa7: {  	s28 =	simm.s32 $_size_execute0_lowered;
	s2 =	sadd.s32 s2, s4;
	[dreg:$0x0] =	wrdreg $0x0  }
0xa8: {  	s4 =	sshll.u32 s28, $0x1;
	[dreg:$0x2] =	wrdreg s2  }
0xa9: {  	[dreg:$0x3] =	wrdreg s4  }
0xaa: {  	[dreg:$0x4] =	wrdreg $0xC0  }
0xab: {  	_ =	task [dreg:s6], $0x5FFFF  }
0xac: {  	[dreg:$0x1] =	wrdreg $0xFFFFFFFF  }
0xad: {  	[dreg:$0x0] =	wrdreg $0x60  }
0xae: {  	[dreg:$0x2] =	wrdreg s24  }
0xaf: {  	[dreg:$0x3] =	wrdreg $0x48000  }
0xb0: {  	[dreg:$0x4] =	wrdreg $0x9  }
0xb1: {  	_ =	task.clear_ibuf [dreg:s6], $0x5FFFF;
	_ =	strace $0x90000046  }
0xb2: {  	s29 =	simm.s32 $0x9;
	_ =	strace $0x80000048  }
0xb3: {  	_ =	swait.ge [sflag:s29], $0x1  }
0xb4: {  	[sflag:s29] =	ssyncadd.s32 $0xFFFFFFFF  }
0xb5: {  	_ =	strace $0x90000048  }
0xb6: {  	_ =	sfence  }
0xb7: {  	s30 =	sld [smem:$0x0];
	_ =	sdelay $0x2  }
0xb8: {  	s31 =	sshll.u32 s1, $0xD;
	s1 =	sshrl.u32 s1, $0x2  }
0xb9: {  	s3 =	sand.u32 $0x4000, s31;
	s1 =	sadd.s32 s1, s30  }
0xba: {  	s0 =	sor.u32 s3, s0;
	s1 =	sshll.u32 s1, $0x11  }
0xbb: {  	s0 =	sor.u32 s1, s0  }
0xbc: {  	s0 =	sadd.s32 $0x8F2B, s0  }
0xbd: {  	[sflag:s0] =	ssyncadd.remote.s32 $0x1  }
0xbe: {  	_ =	sfence.sel $0xFFFF  }
0xbf: {  	[dreg:$0x0] =	wrdreg $0xFFFFFFFF;
	(pc) =	sbr.abs _section_cstart, $3  }
0xc0: {  	[dreg:$0x1] =	wrdreg $0xFFFFFFFF  }
0xc1: {  	_ =	task.clear_ibuf [dreg:s6], $0x2FFFF;
	_ =	strace $0x9FFFFFFF  }
0xc2: {  	(tm) =	ssettm $0x7FFFFFFF  }
0xc3: {  	_ =	shalt  }
tec
execute0_lowered:
.L_overlay_start_1:
0x0: {  	(tag) =	ssettag $0x1  }
0x1: {  	s6 =	rddreg [dreg:$0x0];
	s0 =	srdreg.scid  }
0x2: {  	s2 =	rddreg [dreg:$0x1];
	s1 =	stileid.u32  }
0x3: {  	s3 =	simm.s32 $0x0;
	s11 =	simm.s32 $0x1;
	s12 =	simm.s32 $0x400  }
0x4: {  	s7 =	sand.u32 $0x1, s0;
	s0 =	rddreg [dreg:$0x2];
	s8 =	smul.u32 $0x2800, s1  }
0x5: {  	s13 =	simm.s32 $0x80;
	[smem:$0x7FF] =	sst s3;
	s9 =	smul.u32 $0xA000, s1  }
0x6: {  	s4 =	sadd.s32 $0xAE00, s6;
	s14 =	sshll.u32 s1, $0x6;
	s5 =	smul.u32 $0x28000, s7  }
0x7: {  	v0 =	vlaneseq.u32;
	_ =	strace $0x80000047;
	s31 =	ssub.s32 $0x2, s7;
	s7 =	sshll.u32 s7, $0x4  }
0x8: {  	v0 =	vmul.u32 $0x80, v0;
	s14 =	sor.u32 $0x1C01, s14;
	s10 =	sshrl.u32 s31, $0x1;
	s7 =	sor.u32 s1, s7  }
0x9: {  	v1 =	vimm.f32 $0.0e+00;
	s9 =	sshrl.u32 s9, $0x2;
	s8 =	sadd.s32 s8, s5;
	s5 =	sadd.s32 $0xE00, s6  }
0xa: {  	v2 =	vimm.f32 $1.000000000e+00;
	v10 =	vimm.f32 $-1.000000000e+00;
	v3 =	vor.u32 $0x800, v0;
	s10 =	ssub.s32 s31, s10;
	s7 =	smul.u32 $0x2800, s7;
	s8 =	sshrl.u32 s8, $0x3  }
0xb: {  	v4 =	vor.u32 $0x1000, v0;
	v5 =	vor.u32 $0x1800, v0;
	v6 =	vor.u32 $0x2000, v0;
	s8 =	sadd.s32 s8, s6;
	s6 =	sadd.s32 s9, s2;
	s9 =	smax.u32 s10, $0x1  }
0xc: {  	v7 =	vor.u32 $0x2800, v0;
	v8 =	vor.u32 $0x3000, v0;
	v9 =	vor.u32 $0x3800, v0;
	s10 =	simm.s32 $0x800;
	s8 =	sadd.s32 $0x14E00, s8;
	s15 =	sshrl.u32 s6, $0x3  }
.LBB2_1:
0xd: {  	s16 =	simm.s32 $0x0;
	s17 =	simm.s32 $0x200  }
.LBB2_2:
0xe: {  	p0 =	sne.s32 s17, $0xFE00;
	[tilespmem:s16+$0x870] =	vst v1  }
0xf: {  	[tilespmem:s16+$0x800] =	vst v1  }
0x10: {  	[tilespmem:s16+$0x810] =	vst v1  }
.Ltmp0:
0x11: {  	[tilespmem:s16+$0x820] =	vst v1;
	(pc) =	sbr.rel @p0 .LBB2_2-.Ltmp0, $4  }
0x12: {  	[tilespmem:s16+$0x830] =	vst v1  }
0x13: {  	[tilespmem:s16+$0x840] =	vst v1  }
0x14: {  	[tilespmem:s16+$0x850] =	vst v1  }
0x15: {  	[tilespmem:s16+$0x860] =	vst v1;
	s16 =	sshra.s32 s17, $0x2;
	s17 =	sadd.s32 $0x200, s17  }
0x16: {  	[tilespmem:s16+$0x870] =	vst v1  }
0x17: {  	[tilespmem:s16+$0x800] =	vst v1  }
0x18: {  	[tilespmem:s16+$0x810] =	vst v1  }
0x19: {  	[tilespmem:s16+$0x820] =	vst v1  }
0x1a: {  	[tilespmem:s16+$0x830] =	vst v1  }
0x1b: {  	[tilespmem:s16+$0x840] =	vst v1  }
0x1c: {  	[tilespmem:s16+$0x850] =	vst v1  }
0x1d: {  	[tilespmem:s16+$0x860] =	vst v1  }
0x1e: {  	[spmem:s6] =	stream.linear.scatter [tilespmem:s10], [sflag:$0x1], $0x2800, $0x38;
	[tilespmem:$0x7000] =	vst v63  }
0x1f: {  	_ =	swait.ge [sflag:s11], $0x2800  }
0x20: {  	[sflag:s11] =	ssyncset.done $0x0  }
0x21: {  	[sflag:s11] =	ssyncadd.s32 $0xFFFFD800  }
0x22: {  	s16 =	simm.s32 $0x0;
	s17 =	simm.s32 $0x0;
	[bflag:$0x0] =	sbarrier.arrive $0xFFFF  }
.LBB2_4:
0x23: {  	s18 =	sshll.u32 s17, $0xA  }
0x24: {  	s18 =	sadd.s32 s7, s18  }
0x25: {  	s18 =	sshrl.u32 s18, $0x3  }
0x26: {  	s19 =	sadd.s32 s4, s18  }
0x27: {  	[tilespmem:s16], [sflag:$0x1] =	stream.linear.gather [hbm4b:s19+s16], $0x400, $0x38;
	[tilespmem:$0x7000] =	vst v63  }
0x28: {  	_ =	swait.ge [sflag:s11], $0x400  }
0x29: {  	[sflag:s11] =	ssyncset.done $0x0  }
0x2a: {  	s18 =	sadd.s32 s5, s18;
	[sflag:s11] =	ssyncadd.s32 $0xFFFFFC00  }
0x2b: {  	[tilespmem:s12], [sflag:$0x1] =	stream.linear.gather [hbm4b:s18+s16], $0x400, $0x38;
	[tilespmem:$0x7000] =	vst v63  }
0x2c: {  	_ =	swait.ge [sflag:s11], $0x400  }
0x2d: {  	[sflag:s11] =	ssyncset.done $0x0  }
0x2e: {  	s18 =	simm.s32 $0x0;
	[sflag:s11] =	ssyncadd.s32 $0xFFFFFC00  }
.LBB2_5:
0x2f: {  	s19 =	sshra.s32 s18, $0x2  }
0x30: {  	v11 =	vld [tilespmem:s19+$0x0];
	_ =	sdelay $0x4  }
0x31: {  	v11 =	vadd.s32 v0, v11;
	_ =	sdelay $0x4  }
0x32: {  	[tilespmem:v11+s10+$0x0] =	vst.idx.add.f32.msk $0xffff, v2  }
0x33: {  	v11 =	vld [tilespmem:s19+$0x10];
	_ =	sdelay $0x4  }
0x34: {  	v11 =	vadd.s32 v3, v11;
	_ =	sdelay $0x4  }
0x35: {  	[tilespmem:v11+s10+$0x0] =	vst.idx.add.f32.msk $0xffff, v2  }
0x36: {  	v11 =	vld [tilespmem:s19+$0x20];
	_ =	sdelay $0x4  }
0x37: {  	v11 =	vadd.s32 v4, v11;
	_ =	sdelay $0x4  }
0x38: {  	[tilespmem:v11+s10+$0x0] =	vst.idx.add.f32.msk $0xffff, v2  }
0x39: {  	v11 =	vld [tilespmem:s19+$0x30];
	_ =	sdelay $0x4  }
0x3a: {  	v11 =	vadd.s32 v5, v11;
	_ =	sdelay $0x4  }
0x3b: {  	[tilespmem:v11+s10+$0x0] =	vst.idx.add.f32.msk $0xffff, v2  }
0x3c: {  	v11 =	vld [tilespmem:s19+$0x40];
	_ =	sdelay $0x4  }
0x3d: {  	v11 =	vadd.s32 v6, v11;
	_ =	sdelay $0x4  }
0x3e: {  	[tilespmem:v11+s10+$0x0] =	vst.idx.add.f32.msk $0xffff, v2  }
0x3f: {  	v11 =	vld [tilespmem:s19+$0x50];
	_ =	sdelay $0x4  }
0x40: {  	v11 =	vadd.s32 v7, v11;
	_ =	sdelay $0x4  }
0x41: {  	[tilespmem:v11+s10+$0x0] =	vst.idx.add.f32.msk $0xffff, v2  }
0x42: {  	v11 =	vld [tilespmem:s19+$0x60];
	_ =	sdelay $0x4  }
0x43: {  	v11 =	vadd.s32 v8, v11;
	_ =	sdelay $0x4  }
0x44: {  	[tilespmem:v11+s10+$0x0] =	vst.idx.add.f32.msk $0xffff, v2  }
0x45: {  	v11 =	vld [tilespmem:s19+$0x70];
	_ =	sdelay $0x4  }
0x46: {  	v11 =	vadd.s32 v9, v11;
	_ =	sdelay $0x4  }
0x47: {  	s20 =	sadd.s32 $0x400, s19;
	[tilespmem:v11+s10+$0x0] =	vst.idx.add.f32.msk $0xffff, v2  }
0x48: {  	[spmem:s2] =	stream.indirect.scatter.add.f32 [tilespmem:s10], [sflag:$0x1], $0x80, s20, s13, $0xb8;
	[tilespmem:$0x7000] =	vst v63  }
0x49: {  	_ =	swait.ge [sflag:s11], $0x4000  }
0x4a: {  	[sflag:s11] =	ssyncset.done $0x0  }
0x4b: {  	[sflag:s11] =	ssyncadd.s32 $0xFFFFC000  }
0x4c: {  	v11 =	vld [tilespmem:s19+$0x0];
	_ =	sdelay $0x4  }
0x4d: {  	v11 =	vadd.s32 v0, v11;
	_ =	sdelay $0x4  }
0x4e: {  	[tilespmem:v11+s10+$0x0] =	vst.idx.add.f32.msk $0xffff, v10  }
0x4f: {  	v11 =	vld [tilespmem:s19+$0x10];
	_ =	sdelay $0x4  }
0x50: {  	v11 =	vadd.s32 v3, v11;
	_ =	sdelay $0x4  }
0x51: {  	[tilespmem:v11+s10+$0x0] =	vst.idx.add.f32.msk $0xffff, v10  }
0x52: {  	v11 =	vld [tilespmem:s19+$0x20];
	_ =	sdelay $0x4  }
0x53: {  	v11 =	vadd.s32 v4, v11;
	_ =	sdelay $0x4  }
0x54: {  	[tilespmem:v11+s10+$0x0] =	vst.idx.add.f32.msk $0xffff, v10  }
0x55: {  	v11 =	vld [tilespmem:s19+$0x30];
	_ =	sdelay $0x4  }
0x56: {  	v11 =	vadd.s32 v5, v11;
	_ =	sdelay $0x4  }
0x57: {  	[tilespmem:v11+s10+$0x0] =	vst.idx.add.f32.msk $0xffff, v10  }
0x58: {  	v11 =	vld [tilespmem:s19+$0x40];
	_ =	sdelay $0x4  }
0x59: {  	v11 =	vadd.s32 v6, v11;
	_ =	sdelay $0x4  }
0x5a: {  	[tilespmem:v11+s10+$0x0] =	vst.idx.add.f32.msk $0xffff, v10  }
0x5b: {  	v11 =	vld [tilespmem:s19+$0x50];
	_ =	sdelay $0x4  }
0x5c: {  	v11 =	vadd.s32 v7, v11;
	_ =	sdelay $0x4  }
0x5d: {  	[tilespmem:v11+s10+$0x0] =	vst.idx.add.f32.msk $0xffff, v10  }
0x5e: {  	v11 =	vld [tilespmem:s19+$0x60];
	_ =	sdelay $0x4  }
0x5f: {  	v11 =	vadd.s32 v8, v11;
	_ =	sdelay $0x4  }
0x60: {  	[tilespmem:v11+s10+$0x0] =	vst.idx.add.f32.msk $0xffff, v10  }
0x61: {  	v11 =	vld [tilespmem:s19+$0x70];
	_ =	sdelay $0x4  }
0x62: {  	p0 =	sne.s32 s18, $0xE00;
	v11 =	vadd.s32 v9, v11  }
.Ltmp1:
0x63: {  	_ = 	snop;
	(pc) =	sbr.rel @p0 .LBB2_5-.Ltmp1, $2  }
0x64: {  	_ =	sdelay $0x2  }
0x65: {  	s18 =	sadd.s32 $0x200, s18;
	[tilespmem:v11+s10+$0x0] =	vst.idx.add.f32.msk $0xffff, v10  }
0x66: {  	s17 =	sadd.s32 $0x1, s17  }
0x67: {  	p0 =	sne.s32 s17, $0xA  }
.Ltmp2:
0x68: {  	_ = 	snop;
	(pc) =	sbr.rel @p0 .LBB2_4-.Ltmp2, $1  }
0x69: {  	_ =	sdelay $0x3  }
0x6a: {  	s3 =	sadd.s32 $0x1, s3  }
0x6b: {  	p0 =	sne.s32 s3, s9  }
.Ltmp3:
0x6c: {  	[bflag:$0x0] =	sbarrier.arrive $0xFFFF;
	(pc) =	sbr.rel @p0 .LBB2_1-.Ltmp3, $4  }
0x6d: {  	[hbm:s8], [sflag:s14] =	dma.local [spmem:s15], $0x500  }
0x6e: {  	_ =	swait.ge [sflag:s11], $0x500  }
0x6f: {  	[sflag:s11] =	ssyncset.done $0x0  }
0x70: {  	[sflag:s11] =	ssyncadd.s32 $0xFFFFFB00  }
0x71: {  	_ =	sfence.sel $0x180000  }
0x72: {  	[bflag:$0x0] =	sbarrier.arrive $0xFFFF  }
0x73: {  	p0 =	sne.s32 s1, $0x0;
	_ =	strace $0x90000047  }
0x74: {  	s0 =	sadd.s32 @!p0 $0x100000, s0;
	[bflag:$0x2] =	sbarrier.arrive $0xFFFF  }
0x75: {  	[sflag:s0] =	ssyncadd.tile.s32 @!p0 $0x1;
	_ =	shalt  }
.Lfunc_end2:
_tile_overlayer_lowered:
.L_overlay_start_2:
0x76: {  	(tag) =	ssettag $0x2  }
0x77: {  	s0 =	rddreg [dreg:$0x0];
	s2 =	stileid.u32  }
0x78: {  	s1 =	rddreg [dreg:$0x1];
	p0 =	sne.s32 s2, $0x0  }
0x79: {  	s3 =	rddreg [dreg:$0x2];
	[bflag:$0x3] =	sbarrier.arrive $0xFFFF;
	s2 =	simm.s32 @!p0 $0x1C01  }
0x7a: {  	[timem:s3], [sflag:s2] =	dma.local @!p0 [hbm:s0], s1  }
0x7b: {  	s0 =	simm.s32 @!p0 $0x1  }
0x7c: {  	_ =	swait.ge @!p0 [sflag:s0], s1  }
0x7d: {  	s1 =	ssub.s32 @!p0 $0x0, s1;
	[sflag:s0] =	ssyncset.done @!p0 $0x0  }
0x7e: {  	[sflag:s0] =	ssyncadd.s32 @!p0 s1  }
0x7f: {  	[bflag:$0x3] =	sbarrier.arrive $0xFFFF  }
0x80: {  	_ =	shalt  }

// kernel: kernel.9.cloned.1.call-start
scs
__scs_entry_jumppad:
0x0: {  	(pc) =	sbr.rel $0x88, $3  }
0x1: {  	(tag) =	ssettag $0x0;
	lr =	simm.s32 $0x1  }
0x2: {  	[smem:$0x3F9E] =	sst lr;
	_ =	strace $0xD0000000  }
0x3: {  	_ = 	snop  }
0x4: {  	_ = 	snop  }
0x5: {  	_ = 	snop  }
0x6: {  	_ = 	snop  }
0x7: {  	_ = 	snop  }
__scs_overlays_trampoline_lowered:
0x8: {  	[smem:$0x3FAD] =	sst s0  }
0x9: {  	[smem:$0x3FAE] =	sst s1  }
0xa: {  	[smem:$0x3FAF] =	sst s2  }
0xb: {  	[smem:$0x3FB0] =	sst s3  }
0xc: {  	[smem:$0x3FB1] =	sst s4  }
0xd: {  	[smem:$0x3FB2] =	sst s5  }
0xe: {  	[smem:$0x3FB3] =	sst s6  }
0xf: {  	[smem:$0x3FB4] =	sst s7  }
0x10: {  	[smem:$0x3FB5] =	sst s8  }
0x11: {  	[smem:$0x3FB6] =	sst s9;
	s0 =	simm.s32 @!p0 $0x0  }
0x12: {  	s1 =	sld [smem:$0x3F9C];
	s0 =	simm.s32 @p0 $0x1  }
0x13: {  	[smem:$0x3FB7] =	sst s0;
	s0 =	simm.s32 @!p1 $0x0  }
0x14: {  	s2 =	sld [smem:$0x3F9B];
	s0 =	simm.s32 @p1 $0x1  }
0x15: {  	[smem:$0x3FB8] =	sst s0;
	s0 =	simm.s32 @!p2 $0x0  }
0x16: {  	s3 =	sld [smem:$0x3FDB];
	s0 =	simm.s32 @p2 $0x1  }
0x17: {  	s4 =	simm.s32 $0x1BF5;
	[smem:$0x3FBA] =	sst s0  }
0x18: {  	s0 =	sld [smem:$0x3F9D];
	_ =	swait.ge [sflag:s4], $0x0  }
0x19: {  	s7 =	sld [smem:$0x3F9E]  }
0x1a: {  	s8 =	sadd.s32 $0xFFFFE003, lr  }
0x1b: {  	s9 =	sadd.s32 $0xFFFFFEF7, lr;
	s5 =	simm.s32 $0xFFFFFFFF;
	p2 =	slt.u32 s8, $0xFFFFF086  }
0x1c: {  	p1 =	slt.u32 s9, $0xF7A;
	s5 =	simm.s32 @!p2 $0x0  }
0x1d: {  	s5 =	simm.s32 @p1 $0x1;
	p0 =	seq.s32 s7, s2  }
0x1e: {  	s7 =	smul.u32 @!p0 $0xF7A, s2;
	p2 =	seq.s32 @!p0 s5, $0x0  }
0x1f: {  	s9 =	smul.u32 $0xF7A, s1;
	s8 =	simm.s32 @!p0 $0x1BF5;
	p2 =	por !p2, p0  }
0x20: {  	[sflag:s8] =	ssyncset.s32 @!p0 $0xFFFFF086;
	s6 =	sadd.s32 @!p0 s3, s7;
	s7 =	simm.s32 @!p0 $0x108  }
0x21: {  	s3 =	sadd.s32 s3, s9;
	s6 =	sadd.s32 @!p0 $0x88, s6;
	s7 =	simm.s32 @p2 $0x1082  }
0x22: {  	[simem:s7], [sflag:s8] =	dma.local @!p0 [hbm:s6], $0xF7A  }
0x23: {  	s9 =	sor.u32 $0xD0000000, s2;
	s6 =	simm.s32 $0x108;
	_ =	swait.ge @!p0 [sflag:s8], $0x0  }
0x24: {  	s3 =	sadd.s32 $0x88, s3;
	s6 =	simm.s32 @!p1 $0x1082;
	[sflag:s4] =	ssyncset.s32 $0xFFFFF086  }
0x25: {  	[simem:s6], [sflag:s4] =	dma.local [hbm:s3], $0xF7A  }
0x26: {  	[smem:$0x3F9E] =	sst s1;
	(tag) =	ssettag s2;
	_ =	strace s9  }
0x27: {  	s1 =	sld [smem:$0x3FAE]  }
0x28: {  	s2 =	sld [smem:$0x3FAF]  }
0x29: {  	s4 =	sld [smem:$0x3FB1]  }
0x2a: {  	p0 =	seq.s32 s5, $0x0;
	s5 =	sld [smem:$0x3FB2]  }
0x2b: {  	s6 =	sld [smem:$0x3FB3]  }
0x2c: {  	s7 =	sld [smem:$0x3FB4]  }
0x2d: {  	s3 =	simm.s32 $0x108;
	s8 =	sld [smem:$0x3FB5]  }
0x2e: {  	s3 =	simm.s32 @!p0 $0x1082;
	s9 =	sld [smem:$0x3FB6]  }
0x2f: {  	lr =	sadd.s32 s0, s3;
	s0 =	sld [smem:$0x3FAD]  }
0x30: {  	s3 =	sld [smem:$0x3FB0]  }
0x31: {  	[smem:$0x3FB9] =	sst s10  }
0x32: {  	s10 =	sld [smem:$0x3FB7];
	_ =	sdelay $0x3  }
0x33: {  	p0 =	seq.s32 s10, $0x1;
	s10 =	sld [smem:$0x3FB9];
	_ =	sdelay $0x3  }
0x34: {  	[smem:$0x3FB9] =	sst s10  }
0x35: {  	s10 =	sld [smem:$0x3FB8];
	_ =	sdelay $0x3  }
0x36: {  	p1 =	seq.s32 s10, $0x1;
	s10 =	sld [smem:$0x3FB9];
	_ =	sdelay $0x3  }
0x37: {  	[smem:$0x3FB9] =	sst s10  }
0x38: {  	s10 =	sld [smem:$0x3FBA]  }
0x39: {  	_ = 	snop;
	(pc) =	sbr.ind lr, $3  }
0x3a: {  	_ = 	snop  }
0x3b: {  	_ = 	snop  }
0x3c: {  	p2 =	seq.s32 s10, $0x1;
	s10 =	sld [smem:$0x3FB9]  }
0x3d: {  	_ =	shalt  }
0x3e: {  	_ =	shalt  }
0x3f: {  	_ =	shalt  }
0x40: {  	_ =	shalt  }
0x41: {  	_ =	shalt  }
0x42: {  	_ =	shalt  }
0x43: {  	_ =	shalt  }
0x44: {  	_ =	shalt  }
0x45: {  	_ =	shalt  }
0x46: {  	_ =	shalt  }
0x47: {  	_ =	shalt  }
0x48: {  	_ =	shalt  }
0x49: {  	_ =	shalt  }
0x4a: {  	_ =	shalt  }
0x4b: {  	_ =	shalt  }
0x4c: {  	_ =	shalt  }
0x4d: {  	_ =	shalt  }
0x4e: {  	_ =	shalt  }
0x4f: {  	_ =	shalt  }
0x50: {  	_ =	shalt  }
0x51: {  	_ =	shalt  }
0x52: {  	_ =	shalt  }
0x53: {  	_ =	shalt  }
0x54: {  	_ =	shalt  }
0x55: {  	_ =	shalt  }
0x56: {  	_ =	shalt  }
0x57: {  	_ =	shalt  }
0x58: {  	_ =	shalt  }
0x59: {  	_ =	shalt  }
0x5a: {  	_ =	shalt  }
0x5b: {  	_ =	shalt  }
0x5c: {  	_ =	shalt  }
0x5d: {  	_ =	shalt  }
0x5e: {  	_ =	shalt  }
0x5f: {  	_ =	shalt  }
0x60: {  	_ =	shalt  }
0x61: {  	_ =	shalt  }
0x62: {  	_ =	shalt  }
0x63: {  	_ =	shalt  }
0x64: {  	_ =	shalt  }
0x65: {  	_ =	shalt  }
0x66: {  	_ =	shalt  }
0x67: {  	_ =	shalt  }
0x68: {  	_ =	shalt  }
0x69: {  	_ =	shalt  }
0x6a: {  	_ =	shalt  }
0x6b: {  	_ =	shalt  }
0x6c: {  	_ =	shalt  }
0x6d: {  	_ =	shalt  }
0x6e: {  	_ =	shalt  }
0x6f: {  	_ =	shalt  }
0x70: {  	_ =	shalt  }
0x71: {  	_ =	shalt  }
0x72: {  	_ =	shalt  }
0x73: {  	_ =	shalt  }
0x74: {  	_ =	shalt  }
0x75: {  	_ =	shalt  }
0x76: {  	_ =	shalt  }
0x77: {  	_ =	shalt  }
0x78: {  	_ =	shalt  }
0x79: {  	_ =	shalt  }
0x7a: {  	_ =	shalt  }
0x7b: {  	_ =	shalt  }
0x7c: {  	_ =	shalt  }
0x7d: {  	_ =	shalt  }
0x7e: {  	_ =	shalt  }
0x7f: {  	_ =	shalt  }
0x80: {  	_ =	shalt  }
0x81: {  	_ =	shalt  }
0x82: {  	_ =	shalt  }
0x83: {  	_ =	shalt  }
0x84: {  	_ =	shalt  }
0x85: {  	_ =	shalt  }
0x86: {  	_ =	shalt  }
0x87: {  	_ =	shalt  }
.Lfunc_end0:
.L_simem_size_0:
called_computation.1_lowered:
.L_overlay_start_0:
0x88: {  	s2 =	sld [smem:$0x3FD9]  }
0x89: {  	s3 =	sld [smem:$0x3FFE];
	_ =	sdelay $0x1  }
0x8a: {  	s1 =	srdreg.scid  }
0x8b: {  	s0 =	sand.u32 $0x1, s1  }
0x8c: {  	s17 =	sshll.u32 s0, $0xA;
	s2 =	sadd.s32 s3, s2  }
0x8d: {  	s2 =	sadd.s32 s2, s17  }
0x8e: {  	[smem:$0x3FC5] =	sst s2  }
0x8f: {  	_ = 	snop  }
0x90: {  	s18 =	sld [smem:$0x3FD0];
	(tm) =	ssettm $0x1  }
0x91: {  	s19 =	sld [smem:$0x3FFB];
	_ =	sdelay $0x3  }
0x92: {  	_ =	strace s19  }
0x93: {  	s2 =	sld [smem:$0x3FFC];
	_ =	sdelay $0x3  }
0x94: {  	_ =	strace s2  }
0x95: {  	s2 =	sld [smem:$0x3FFD];
	_ =	sdelay $0x3  }
0x96: {  	_ =	strace s2  }
0x97: {  	_ =	strace $0x8FFFFFFF  }
0x98: {  	s20 =	sld [smem:$0x3FDB];
	_ =	sdelay $0x1  }
0x99: {  	s4 =	simm.s32 $_scs_section_size  }
0x9a: {  	s5 =	simm.s32 $_size__tile_overlayer_lowered;
	s6 =	simm.s32 $_tile_overlayer_lowered  }
0x9b: {  	s7 =	simm.s32 $0x1BFF;
	s21 =	sshll.u32 s6, $0x1;
	s4 =	sadd.s32 s4, s20  }
0x9c: {  	s22 =	simm.s32 $0x0;
	s5 =	sshll.u32 s5, $0x1;
	s6 =	sadd.s32 s21, s4  }
0x9d: {  	[timem:s22], [sflag:s7] =	dma.local [hbm:s6], s5  }
0x9e: {  	_ =	swait.ge [sflag:s7], s5  }
0x9f: {  	s5 =	ssub.s32 $0x0, s5;
	[sflag:s7] =	ssyncset.done $0x0  }
0xa0: {  	[sflag:s7] =	ssyncadd.s32 s5;
	_ =	sdelay $0x1  }
0xa1: {  	s23 =	simm.s32 $0x1B8B  }
0xa2: {  	_ =	swait.ge [sflag:s23], $0x1  }
0xa3: {  	[sflag:s23] =	ssyncset.done $0x0  }
0xa4: {  	[sflag:s23] =	ssyncadd.s32 $0xFFFFFFFF  }
0xa5: {  	s5 =	sld [smem:$0x0]  }
0xa6: {  	s6 =	sand.u32 $0xFFFFFFFE, s1  }
0xa7: {  	p0 =	sne.s32 s1, s6  }
0xa8: {  	s6 =	sshll.u32 @p0 s6, $0xE  }
0xa9: {  	s6 =	sadd.s32 @p0 $0x11B8D, s6;
	s7 =	sshll.u32 @p0 s5, $0x11  }
0xaa: {  	s6 =	sor.u32 @p0 s7, s6  }
0xab: {  	[sflag:s6] =	ssyncadd.remote.s32 @p0 $0x1;
	_ =	sdelay $0x1  }
0xac: {  	s6 =	simm.s32 @p0 $0x1B8D  }
0xad: {  	_ =	swait.eq @p0 [sflag:s6], $0x1  }
0xae: {  	[sflag:s6] =	ssyncadd.s32 @p0 $0xFFFFFFFF  }
0xaf: {  	s7 =	sshll.u32 @!p0 s1, $0xE  }
0xb0: {  	s7 =	sor.u32 @!p0 $0x4000, s7;
	s6 =	simm.s32 @!p0 $0x1B8D  }
0xb1: {  	s5 =	sshll.u32 @!p0 s5, $0x11;
	s7 =	sadd.s32 @!p0 $0x11B8D, s7;
	_ =	swait.eq @!p0 [sflag:s6], $0x1  }
0xb2: {  	s5 =	sor.u32 @!p0 s5, s7;
	[sflag:s6] =	ssyncadd.s32 @!p0 $0xFFFFFFFF  }
0xb3: {  	s25 =	simm.s32 $0x1B8E;
	s24 =	sld [smem:$0x3FFE];
	[sflag:s5] =	ssyncadd.remote.s32 @!p0 $0x1  }
0xb4: {  	s26 =	simm.s32 $execute0_lowered;
	[smem:$0x3FD2] =	sst s25  }
0xb5: {  	s6 =	sshll.u32 s26, $0x1;
	_ =	strace $0x80000049;
	[dreg:$0x1] =	wrdreg $0xFFFFFFFF  }
0xb6: {  	s28 =	simm.s32 $_size_execute0_lowered;
	s4 =	sadd.s32 s4, s6;
	[dreg:$0x0] =	wrdreg $0x0  }
0xb7: {  	s6 =	sshll.u32 s28, $0x1;
	[dreg:$0x2] =	wrdreg s4  }
0xb8: {  	[dreg:$0x3] =	wrdreg s6  }
0xb9: {  	[dreg:$0x4] =	wrdreg $0xC0  }
0xba: {  	_ =	task [dreg:s22], $0x5FFFF  }
0xbb: {  	[dreg:$0x1] =	wrdreg $0xFFFFFFFF  }
0xbc: {  	[dreg:$0x0] =	wrdreg $0x60  }
0xbd: {  	[dreg:$0x2] =	wrdreg s24  }
0xbe: {  	[dreg:$0x3] =	wrdreg s18  }
0xbf: {  	[dreg:$0x4] =	wrdreg $0x90000  }
0xc0: {  	[dreg:$0x5] =	wrdreg $0xA  }
0xc1: {  	_ =	task.clear_ibuf [dreg:s22], $0x6FFFF;
	_ =	strace $0x90000049  }
0xc2: {  	s29 =	simm.s32 $0xA;
	_ =	strace $0x8000004B  }
0xc3: {  	_ =	swait.ge [sflag:s29], $0x1  }
0xc4: {  	[sflag:s29] =	ssyncadd.s32 $0xFFFFFFFF  }
0xc5: {  	_ =	strace $0x9000004B  }
0xc6: {  	_ =	sfence  }
0xc7: {  	s30 =	sld [smem:$0x0];
	_ =	sdelay $0x2  }
0xc8: {  	s31 =	sshll.u32 s1, $0xD;
	s1 =	sshrl.u32 s1, $0x2  }
0xc9: {  	s4 =	sand.u32 $0x4000, s31;
	s1 =	sadd.s32 s1, s30  }
0xca: {  	s0 =	sor.u32 s4, s0;
	s1 =	sshll.u32 s1, $0x11  }
0xcb: {  	s0 =	sor.u32 s1, s0  }
0xcc: {  	s0 =	sadd.s32 $0x8F2B, s0  }
0xcd: {  	[sflag:s0] =	ssyncadd.remote.s32 $0x1  }
0xce: {  	_ =	sfence.sel $0xFFFF  }
0xcf: {  	[dreg:$0x0] =	wrdreg $0xFFFFFFFF;
	(pc) =	sbr.abs _section_cstart, $3  }
0xd0: {  	[dreg:$0x1] =	wrdreg $0xFFFFFFFF  }
0xd1: {  	_ =	task.clear_ibuf [dreg:s22], $0x2FFFF;
	_ =	strace $0x9FFFFFFF  }
0xd2: {  	(tm) =	ssettm $0x7FFFFFFF  }
0xd3: {  	_ =	shalt  }
tec
execute0_lowered:
.L_overlay_start_1:
0x0: {  	(tag) =	ssettag $0x1  }
0x1: {  	s1 =	rddreg [dreg:$0x0]  }
0x2: {  	s0 =	srdreg.scid;
	s5 =	rddreg [dreg:$0x1]  }
0x3: {  	s10 =	stileid.u32;
	s2 =	rddreg [dreg:$0x2];
	s3 =	simm.s32 $0x0  }
0x4: {  	s13 =	simm.s32 $0x200;
	s14 =	simm.s32 $0x880;
	s4 =	smul.u32 $0x5000, s10  }
0x5: {  	s6 =	sand.u32 $0x1, s0;
	[smem:$0x7FF] =	sst s3;
	s8 =	smul.u32 $0x14000, s10  }
0x6: {  	s10 =	smul.u32 $0x50000, s10;
	_ =	strace $0x8000004A;
	[dreg:$0x9] =	wrdreg s13  }
0x7: {  	s16 =	simm.s32 $0x280;
	s0 =	smul.u32 $0x50000, s6;
	[dreg:$0xa] =	wrdreg s14  }
0x8: {  	[dreg:$0xb] =	wrdreg s16;
	s13 =	simm.s32 $0xB80  }
0x9: {  	s10 =	sshrl.u32 s10, $0x2;
	[dreg:$0x16] =	wrdreg s13;
	s4 =	sadd.s32 s4, s0  }
0xa: {  	s0 =	smul.u32 $0x140000, s6;
	s6 =	ssub.s32 $0x2, s6;
	s7 =	sshrl.u32 s4, $0x3  }
0xb: {  	s12 =	sshrl.u32 s6, $0x1;
	s9 =	sadd.s32 s7, s1;
	s5 =	sadd.s32 s7, s5  }
0xc: {  	s6 =	ssub.s32 s6, s12;
	s7 =	simm.s32 $0x80;
	[dreg:$0x4] =	wrdreg s5  }
0xd: {  	s12 =	sadd.s32 s10, s2;
	s10 =	simm.s32 $0x100;
	[dreg:$0x6] =	wrdreg s7  }
0xe: {  	[dreg:$0x7] =	wrdreg s10  }
0xf: {  	s6 =	smax.u32 s6, $0x1;
	[dreg:$0x1b] =	wrdreg s12  }
0x10: {  	s18 =	sadd.s32 $0x2000, s12;
	[dreg:$0x1d] =	wrdreg s6  }
0x11: {  	s19 =	sadd.s32 $0x4000, s12;
	[dreg:$0x1e] =	wrdreg s18  }
0x12: {  	s20 =	sadd.s32 $0x6000, s12;
	[dreg:$0x1f] =	wrdreg s19  }
0x13: {  	s21 =	sadd.s32 $0x8000, s12;
	[smem:$0x7EF] =	sst s20  }
0x14: {  	s22 =	sadd.s32 $0xA000, s12;
	[smem:$0x7F0] =	sst s21  }
0x15: {  	s23 =	sadd.s32 $0xC000, s12;
	[smem:$0x7F1] =	sst s22  }
0x16: {  	s4 =	sadd.s32 $0x1EE00, s1;
	s24 =	sadd.s32 $0xE000, s12;
	[smem:$0x7F2] =	sst s23  }
0x17: {  	s1 =	sadd.s32 $0x16B600, s1;
	s25 =	sadd.s32 $0x10000, s12;
	[smem:$0x7F3] =	sst s24  }
0x18: {  	s11 =	sadd.s32 s0, s8;
	s26 =	sadd.s32 $0x157600, s9;
	[smem:$0x7F4] =	sst s25  }
0x19: {  	s11 =	sshrl.u32 s11, $0x3;
	s12 =	sadd.s32 $0x12000, s12;
	[dreg:$0x5] =	wrdreg s26  }
0x1a: {  	s28 =	simm.s32 $0x800;
	s17 =	sadd.s32 s1, s11;
	[smem:$0x7F9] =	sst s12  }
0x1b: {  	s29 =	simm.s32 $0x40;
	s11 =	simm.s32 $0x180;
	[dreg:$0x1c] =	wrdreg s17  }
0x1c: {  	s30 =	simm.s32 $0x3000;
	s18 =	simm.s32 $0x300;
	[dreg:$0x8] =	wrdreg s11  }
0x1d: {  	s31 =	simm.s32 $0x5000;
	s20 =	simm.s32 $0x980;
	[dreg:$0xd] =	wrdreg s18  }
0x1e: {  	s13 =	simm.s32 $0x680;
	s22 =	simm.s32 $0x380;
	[dreg:$0xe] =	wrdreg s20  }
0x1f: {  	s6 =	sadd.s32 $0x4000, s8;
	s23 =	simm.s32 $0xA00;
	[dreg:$0xf] =	wrdreg s22  }
0x20: {  	s19 =	sadd.s32 $0xC000, s8;
	s24 =	simm.s32 $0x400;
	[dreg:$0x10] =	wrdreg s23  }
0x21: {  	s25 =	simm.s32 $0xA80;
	s26 =	simm.s32 $0x480;
	[dreg:$0x11] =	wrdreg s24  }
0x22: {  	s12 =	simm.s32 $0x8;
	s9 =	sadd.s32 s0, s6;
	[dreg:$0x12] =	wrdreg s25  }
0x23: {  	s17 =	simm.s32 $0x900;
	s21 =	sadd.s32 s0, s19;
	[dreg:$0x13] =	wrdreg s26  }
0x24: {  	s11 =	simm.s32 $0x500;
	s14 =	sadd.s32 s6, s2;
	s18 =	sadd.s32 s19, s2  }
0x25: {  	s19 =	simm.s32 $0x600;
	s22 =	simm.s32 $0xC80;
	[dreg:$0xc] =	wrdreg s17  }
0x26: {  	s6 =	simm.s32 $0x5;
	s7 =	sshrl.u32 s9, $0x3;
	[dreg:$0x15] =	wrdreg s11  }
0x27: {  	s10 =	sshrl.u32 s21, $0x3;
	s17 =	simm.s32 $0xC00;
	[dreg:$0x19] =	wrdreg s19  }
0x28: {  	[dreg:$0x1a] =	wrdreg s22;
	s21 =	simm.s32 $0x1000;
	s23 =	sshrl.u32 s14, $0x3  }
0x29: {  	s25 =	sshrl.u32 s18, $0x3;
	s11 =	simm.s32 $0x4;
	s14 =	simm.s32 $0xD00  }
0x2a: {  	s18 =	simm.s32 $0xE00;
	s19 =	simm.s32 $0xE80;
	[dreg:$0x18] =	wrdreg s17  }
0x2b: {  	s22 =	simm.s32 $0xF80;
	s7 =	sadd.s32 s1, s7;
	[smem:$0x7FA] =	sst s23  }
0x2c: {  	s10 =	sadd.s32 s1, s10;
	[smem:$0x7FC] =	sst s25;
	s17 =	simm.s32 $0x780  }
0x2d: {  	s23 =	simm.s32 $0x0;
	[smem:$0x7F5] =	sst s7;
	s7 =	sadd.s32 $0x8000, s8  }
0x2e: {  	[smem:$0x7F7] =	sst s10;
	s8 =	sadd.s32 $0x10000, s8;
	s10 =	simm.s32 $0xB00  }
0x2f: {  	s15 =	sadd.s32 s0, s7;
	s0 =	sadd.s32 s0, s8;
	[dreg:$0x14] =	wrdreg s10  }
0x30: {  	s16 =	sadd.s32 s7, s2;
	s20 =	sadd.s32 s8, s2;
	s7 =	simm.s32 $0x2  }
0x31: {  	s8 =	simm.s32 $0x6;
	s10 =	simm.s32 $0x7;
	s9 =	sshrl.u32 s15, $0x3  }
0x32: {  	s0 =	sshrl.u32 s0, $0x3;
	s15 =	simm.s32 $0x580;
	s24 =	sshrl.u32 s16, $0x3  }
0x33: {  	s26 =	sshrl.u32 s20, $0x3;
	s16 =	simm.s32 $0xD80;
	[dreg:$0x17] =	wrdreg s15  }
0x34: {  	s20 =	simm.s32 $0xF00;
	s9 =	sadd.s32 s1, s9;
	[smem:$0x7FB] =	sst s24  }
0x35: {  	s0 =	sadd.s32 s1, s0;
	[smem:$0x7FD] =	sst s26;
	s26 =	simm.s32 $0x9  }
0x36: {  	s1 =	simm.s32 $0x7000;
	s15 =	simm.s32 $0x700;
	[smem:$0x7F6] =	sst s9  }
0x37: {  	v0 =	vimm.f32 $0.0e+00;
	[smem:$0x7F8] =	sst s0;
	s0 =	simm.s32 $0x1;
	s9 =	simm.s32 $0x3  }
.LBB2_1:
0x38: {  	s24 =	simm.s32 $0x0;
	s25 =	simm.s32 $0x200  }
.LBB2_2:
0x39: {  	p0 =	sne.s32 s25, $0x7E00;
	[tilespmem:s24+$0x1070] =	vst v0  }
0x3a: {  	[tilespmem:s24+$0x1000] =	vst v0  }
0x3b: {  	[tilespmem:s24+$0x1010] =	vst v0  }
.Ltmp0:
0x3c: {  	[tilespmem:s24+$0x1020] =	vst v0;
	(pc) =	sbr.rel @p0 .LBB2_2-.Ltmp0, $4  }
0x3d: {  	[tilespmem:s24+$0x1030] =	vst v0  }
0x3e: {  	[tilespmem:s24+$0x1040] =	vst v0  }
0x3f: {  	[tilespmem:s24+$0x1050] =	vst v0  }
0x40: {  	[tilespmem:s24+$0x1060] =	vst v0;
	s24 =	sshra.s32 s25, $0x2;
	s25 =	sadd.s32 $0x200, s25  }
0x41: {  	[tilespmem:s24+$0x1070] =	vst v0  }
0x42: {  	[tilespmem:s24+$0x1000] =	vst v0  }
0x43: {  	[tilespmem:s24+$0x1010] =	vst v0  }
0x44: {  	[tilespmem:s24+$0x1020] =	vst v0  }
0x45: {  	[tilespmem:s24+$0x1030] =	vst v0  }
0x46: {  	[tilespmem:s24+$0x1040] =	vst v0  }
0x47: {  	[smem:$0x7EE] =	sst s23;
	[tilespmem:s24+$0x1050] =	vst v0  }
0x48: {  	[tilespmem:s24+$0x1060] =	vst v0;
	s5 =	rddreg [dreg:$0x1b]  }
0x49: {  	[spmem:s5] =	stream.linear.scatter [tilespmem:s21], [sflag:$0x9], $0x2000, $0x38;
	[tilespmem:$0x1D000] =	vst v63  }
0x4a: {  	_ =	swait.ge [sflag:s26], $0x2000  }
0x4b: {  	[sflag:s26] =	ssyncset.done $0x0  }
0x4c: {  	s23 =	rddreg [dreg:$0x1e];
	[sflag:s26] =	ssyncadd.s32 $0xFFFFE000  }
0x4d: {  	[spmem:s23] =	stream.linear.scatter [tilespmem:s21], [sflag:$0x9], $0x2000, $0x38;
	[tilespmem:$0x1D000] =	vst v63  }
0x4e: {  	_ =	swait.ge [sflag:s26], $0x2000  }
0x4f: {  	[sflag:s26] =	ssyncset.done $0x0  }
0x50: {  	s24 =	rddreg [dreg:$0x1f];
	[sflag:s26] =	ssyncadd.s32 $0xFFFFE000  }
0x51: {  	[spmem:s24] =	stream.linear.scatter [tilespmem:s21], [sflag:$0x9], $0x2000, $0x38;
	[tilespmem:$0x1D000] =	vst v63  }
0x52: {  	_ =	swait.ge [sflag:s26], $0x2000  }
0x53: {  	s25 =	sld [smem:$0x7EF]  }
0x54: {  	[sflag:s26] =	ssyncset.done $0x0  }
0x55: {  	[sflag:s26] =	ssyncadd.s32 $0xFFFFE000  }
0x56: {  	[spmem:s25] =	stream.linear.scatter [tilespmem:s21], [sflag:$0x9], $0x2000, $0x38;
	[tilespmem:$0x1D000] =	vst v63  }
0x57: {  	_ =	swait.ge [sflag:s26], $0x2000  }
0x58: {  	s23 =	sld [smem:$0x7F0]  }
0x59: {  	[sflag:s26] =	ssyncset.done $0x0  }
0x5a: {  	[sflag:s26] =	ssyncadd.s32 $0xFFFFE000  }
0x5b: {  	[spmem:s23] =	stream.linear.scatter [tilespmem:s21], [sflag:$0x9], $0x2000, $0x38;
	[tilespmem:$0x1D000] =	vst v63  }
0x5c: {  	_ =	swait.ge [sflag:s26], $0x2000  }
0x5d: {  	s24 =	sld [smem:$0x7F1]  }
0x5e: {  	[sflag:s26] =	ssyncset.done $0x0  }
0x5f: {  	[sflag:s26] =	ssyncadd.s32 $0xFFFFE000  }
0x60: {  	[spmem:s24] =	stream.linear.scatter [tilespmem:s21], [sflag:$0x9], $0x2000, $0x38;
	[tilespmem:$0x1D000] =	vst v63  }
0x61: {  	_ =	swait.ge [sflag:s26], $0x2000  }
0x62: {  	s25 =	sld [smem:$0x7F2]  }
0x63: {  	[sflag:s26] =	ssyncset.done $0x0  }
0x64: {  	[sflag:s26] =	ssyncadd.s32 $0xFFFFE000  }
0x65: {  	[spmem:s25] =	stream.linear.scatter [tilespmem:s21], [sflag:$0x9], $0x2000, $0x38;
	[tilespmem:$0x1D000] =	vst v63  }
0x66: {  	_ =	swait.ge [sflag:s26], $0x2000  }
0x67: {  	s23 =	sld [smem:$0x7F3]  }
0x68: {  	[sflag:s26] =	ssyncset.done $0x0  }
0x69: {  	[sflag:s26] =	ssyncadd.s32 $0xFFFFE000  }
0x6a: {  	[spmem:s23] =	stream.linear.scatter [tilespmem:s21], [sflag:$0x9], $0x2000, $0x38;
	[tilespmem:$0x1D000] =	vst v63  }
0x6b: {  	_ =	swait.ge [sflag:s26], $0x2000  }
0x6c: {  	s24 =	sld [smem:$0x7F4]  }
0x6d: {  	[sflag:s26] =	ssyncset.done $0x0  }
0x6e: {  	[sflag:s26] =	ssyncadd.s32 $0xFFFFE000  }
0x6f: {  	[spmem:s24] =	stream.linear.scatter [tilespmem:s21], [sflag:$0x9], $0x2000, $0x38;
	[tilespmem:$0x1D000] =	vst v63  }
0x70: {  	_ =	swait.ge [sflag:s26], $0x2000  }
0x71: {  	s25 =	sld [smem:$0x7F9]  }
0x72: {  	[sflag:s26] =	ssyncset.done $0x0  }
0x73: {  	[sflag:s26] =	ssyncadd.s32 $0xFFFFE000  }
0x74: {  	[spmem:s25] =	stream.linear.scatter [tilespmem:s21], [sflag:$0x9], $0x2000, $0x38;
	[tilespmem:$0x1D000] =	vst v63  }
0x75: {  	_ =	swait.ge [sflag:s26], $0x2000  }
0x76: {  	[sflag:s26] =	ssyncset.done $0x0  }
0x77: {  	[sflag:s26] =	ssyncadd.s32 $0xFFFFE000  }
0x78: {  	[bflag:$0x0] =	sbarrier.arrive $0xFFFF  }
0x79: {  	s23 =	rddreg [dreg:$0x5]  }
0x7a: {  	s5 =	sadd.s32 $0x0, s23  }
0x7b: {  	[tilespmem:s3], [sflag:$0x9] =	stream.linear.gather [hbm4b:s5+s3], $0x800, $0x38;
	[tilespmem:$0x1D000] =	vst v63  }
0x7c: {  	_ =	swait.ge [sflag:s26], $0x800  }
0x7d: {  	s24 =	rddreg [dreg:$0x4];
	[sflag:s26] =	ssyncset.done $0x0  }
0x7e: {  	[sflag:s26] =	ssyncadd.s32 $0xFFFFF800;
	s5 =	sadd.s32 $0x0, s24  }
0x7f: {  	[tilespmem:s28], [sflag:$0x9] =	stream.linear.gather [hbm4b:s5+s3], $0x800, $0x38;
	[tilespmem:$0x1D000] =	vst v63  }
0x80: {  	_ =	swait.ge [sflag:s26], $0x800  }
0x81: {  	[sflag:s26] =	ssyncset.done $0x0  }
0x82: {  	[sflag:s26] =	ssyncadd.s32 $0xFFFFF800  }
0x83: {  	[tilespmem:s21], [sflag:$0x1] =	stream.indirect.gather [hbm4b:s4+s29], $0x80, s3, s29, $0xb8;
	[tilespmem:$0x1D000] =	vst v63  }
0x84: {  	s25 =	rddreg [dreg:$0x6]  }
0x85: {  	[tilespmem:s30], [sflag:$0x2] =	stream.indirect.gather [hbm4b:s4+s29], $0x80, s25, s29, $0xb8;
	[tilespmem:$0x1D000] =	vst v63  }
0x86: {  	s23 =	rddreg [dreg:$0x7]  }
0x87: {  	[tilespmem:s31], [sflag:$0x3] =	stream.indirect.gather [hbm4b:s4+s29], $0x80, s23, s29, $0xb8;
	[tilespmem:$0x1D000] =	vst v63  }
0x88: {  	s25 =	rddreg [dreg:$0x8]  }
0x89: {  	[tilespmem:s1], [sflag:$0x4] =	stream.indirect.gather [hbm4b:s4+s29], $0x80, s25, s29, $0xb8;
	[tilespmem:$0x1D000] =	vst v63  }
0x8a: {  	_ =	swait.ge [sflag:s0], $0x2000  }
0x8b: {  	[sflag:s0] =	ssyncset.done $0x0  }
0x8c: {  	[sflag:s0] =	ssyncadd.s32 $0xFFFFE000  }
0x8d: {  	[spmem:s2] =	stream.indirect.scatter.add.f32 [tilespmem:s21], [sflag:$0x5], $0x80, s28, s29, $0xb8;
	[tilespmem:$0x1D000] =	vst v63  }
0x8e: {  	_ =	swait.ge [sflag:s6], $0x2000  }
0x8f: {  	[sflag:s6] =	ssyncset.done $0x0  }
0x90: {  	s23 =	rddreg [dreg:$0x9];
	[sflag:s6] =	ssyncadd.s32 $0xFFFFE000  }
0x91: {  	[tilespmem:s21], [sflag:$0x1] =	stream.indirect.gather [hbm4b:s4+s29], $0x80, s23, s29, $0xb8;
	[tilespmem:$0x1D000] =	vst v63  }
0x92: {  	_ =	swait.ge [sflag:s7], $0x2000  }
0x93: {  	[sflag:s7] =	ssyncset.done $0x0  }
0x94: {  	s24 =	rddreg [dreg:$0xa];
	[sflag:s7] =	ssyncadd.s32 $0xFFFFE000  }
0x95: {  	[spmem:s2] =	stream.indirect.scatter.add.f32 [tilespmem:s30], [sflag:$0x6], $0x80, s24, s29, $0xb8;
	[tilespmem:$0x1D000] =	vst v63  }
0x96: {  	_ =	swait.ge [sflag:s8], $0x2000  }
0x97: {  	[sflag:s8] =	ssyncset.done $0x0  }
0x98: {  	s25 =	rddreg [dreg:$0xb];
	[sflag:s8] =	ssyncadd.s32 $0xFFFFE000  }
0x99: {  	[tilespmem:s30], [sflag:$0x2] =	stream.indirect.gather [hbm4b:s4+s29], $0x80, s25, s29, $0xb8;
	[tilespmem:$0x1D000] =	vst v63  }
0x9a: {  	_ =	swait.ge [sflag:s9], $0x2000  }
0x9b: {  	[sflag:s9] =	ssyncset.done $0x0  }
0x9c: {  	s23 =	rddreg [dreg:$0xc];
	[sflag:s9] =	ssyncadd.s32 $0xFFFFE000  }
0x9d: {  	[spmem:s2] =	stream.indirect.scatter.add.f32 [tilespmem:s31], [sflag:$0x7], $0x80, s23, s29, $0xb8;
	[tilespmem:$0x1D000] =	vst v63  }
0x9e: {  	_ =	swait.ge [sflag:s10], $0x2000  }
0x9f: {  	[sflag:s10] =	ssyncset.done $0x0  }
0xa0: {  	s24 =	rddreg [dreg:$0xd];
	[sflag:s10] =	ssyncadd.s32 $0xFFFFE000  }
0xa1: {  	[tilespmem:s31], [sflag:$0x3] =	stream.indirect.gather [hbm4b:s4+s29], $0x80, s24, s29, $0xb8;
	[tilespmem:$0x1D000] =	vst v63  }
0xa2: {  	_ =	swait.ge [sflag:s11], $0x2000  }
0xa3: {  	[sflag:s11] =	ssyncset.done $0x0  }
0xa4: {  	s25 =	rddreg [dreg:$0xe];
	[sflag:s11] =	ssyncadd.s32 $0xFFFFE000  }
0xa5: {  	[spmem:s2] =	stream.indirect.scatter.add.f32 [tilespmem:s1], [sflag:$0x8], $0x80, s25, s29, $0xb8;
	[tilespmem:$0x1D000] =	vst v63  }
0xa6: {  	_ =	swait.ge [sflag:s12], $0x2000  }
0xa7: {  	[sflag:s12] =	ssyncset.done $0x0  }
0xa8: {  	s23 =	rddreg [dreg:$0xf];
	[sflag:s12] =	ssyncadd.s32 $0xFFFFE000  }
0xa9: {  	[tilespmem:s1], [sflag:$0x4] =	stream.indirect.gather [hbm4b:s4+s29], $0x80, s23, s29, $0xb8;
	[tilespmem:$0x1D000] =	vst v63  }
0xaa: {  	_ =	swait.ge [sflag:s0], $0x2000  }
0xab: {  	[sflag:s0] =	ssyncset.done $0x0  }
0xac: {  	s24 =	rddreg [dreg:$0x10];
	[sflag:s0] =	ssyncadd.s32 $0xFFFFE000  }
0xad: {  	[spmem:s2] =	stream.indirect.scatter.add.f32 [tilespmem:s21], [sflag:$0x5], $0x80, s24, s29, $0xb8;
	[tilespmem:$0x1D000] =	vst v63  }
0xae: {  	_ =	swait.ge [sflag:s6], $0x2000  }
0xaf: {  	[sflag:s6] =	ssyncset.done $0x0  }
0xb0: {  	s25 =	rddreg [dreg:$0x11];
	[sflag:s6] =	ssyncadd.s32 $0xFFFFE000  }
0xb1: {  	[tilespmem:s21], [sflag:$0x1] =	stream.indirect.gather [hbm4b:s4+s29], $0x80, s25, s29, $0xb8;
	[tilespmem:$0x1D000] =	vst v63  }
0xb2: {  	_ =	swait.ge [sflag:s7], $0x2000  }
0xb3: {  	[sflag:s7] =	ssyncset.done $0x0  }
0xb4: {  	s23 =	rddreg [dreg:$0x12];
	[sflag:s7] =	ssyncadd.s32 $0xFFFFE000  }
0xb5: {  	[spmem:s2] =	stream.indirect.scatter.add.f32 [tilespmem:s30], [sflag:$0x6], $0x80, s23, s29, $0xb8;
	[tilespmem:$0x1D000] =	vst v63  }
0xb6: {  	_ =	swait.ge [sflag:s8], $0x2000  }
0xb7: {  	[sflag:s8] =	ssyncset.done $0x0  }
0xb8: {  	s24 =	rddreg [dreg:$0x13];
	[sflag:s8] =	ssyncadd.s32 $0xFFFFE000  }
0xb9: {  	[tilespmem:s30], [sflag:$0x2] =	stream.indirect.gather [hbm4b:s4+s29], $0x80, s24, s29, $0xb8;
	[tilespmem:$0x1D000] =	vst v63  }
0xba: {  	_ =	swait.ge [sflag:s9], $0x2000  }
0xbb: {  	[sflag:s9] =	ssyncset.done $0x0  }
0xbc: {  	s25 =	rddreg [dreg:$0x14];
	[sflag:s9] =	ssyncadd.s32 $0xFFFFE000  }
0xbd: {  	[spmem:s2] =	stream.indirect.scatter.add.f32 [tilespmem:s31], [sflag:$0x7], $0x80, s25, s29, $0xb8;
	[tilespmem:$0x1D000] =	vst v63  }
0xbe: {  	_ =	swait.ge [sflag:s10], $0x2000  }
0xbf: {  	[sflag:s10] =	ssyncset.done $0x0  }
0xc0: {  	s23 =	rddreg [dreg:$0x15];
	[sflag:s10] =	ssyncadd.s32 $0xFFFFE000  }
0xc1: {  	[tilespmem:s31], [sflag:$0x3] =	stream.indirect.gather [hbm4b:s4+s29], $0x80, s23, s29, $0xb8;
	[tilespmem:$0x1D000] =	vst v63  }
0xc2: {  	_ =	swait.ge [sflag:s11], $0x2000  }
0xc3: {  	[sflag:s11] =	ssyncset.done $0x0  }
0xc4: {  	s24 =	rddreg [dreg:$0x16];
	[sflag:s11] =	ssyncadd.s32 $0xFFFFE000  }
0xc5: {  	[spmem:s2] =	stream.indirect.scatter.add.f32 [tilespmem:s1], [sflag:$0x8], $0x80, s24, s29, $0xb8;
	[tilespmem:$0x1D000] =	vst v63  }
0xc6: {  	_ =	swait.ge [sflag:s12], $0x2000  }
0xc7: {  	[sflag:s12] =	ssyncset.done $0x0  }
0xc8: {  	s25 =	rddreg [dreg:$0x17];
	[sflag:s12] =	ssyncadd.s32 $0xFFFFE000  }
0xc9: {  	[tilespmem:s1], [sflag:$0x4] =	stream.indirect.gather [hbm4b:s4+s29], $0x80, s25, s29, $0xb8;
	[tilespmem:$0x1D000] =	vst v63  }
0xca: {  	_ =	swait.ge [sflag:s0], $0x2000  }
0xcb: {  	[sflag:s0] =	ssyncset.done $0x0  }
0xcc: {  	s23 =	rddreg [dreg:$0x18];
	[sflag:s0] =	ssyncadd.s32 $0xFFFFE000  }
0xcd: {  	[spmem:s2] =	stream.indirect.scatter.add.f32 [tilespmem:s21], [sflag:$0x5], $0x80, s23, s29, $0xb8;
	[tilespmem:$0x1D000] =	vst v63  }
0xce: {  	_ =	swait.ge [sflag:s6], $0x2000  }
0xcf: {  	[sflag:s6] =	ssyncset.done $0x0  }
0xd0: {  	s24 =	rddreg [dreg:$0x19];
	[sflag:s6] =	ssyncadd.s32 $0xFFFFE000  }
0xd1: {  	[tilespmem:s21], [sflag:$0x1] =	stream.indirect.gather [hbm4b:s4+s29], $0x80, s24, s29, $0xb8;
	[tilespmem:$0x1D000] =	vst v63  }
0xd2: {  	_ =	swait.ge [sflag:s7], $0x2000  }
0xd3: {  	[sflag:s7] =	ssyncset.done $0x0  }
0xd4: {  	s25 =	rddreg [dreg:$0x1a];
	[sflag:s7] =	ssyncadd.s32 $0xFFFFE000  }
0xd5: {  	[spmem:s2] =	stream.indirect.scatter.add.f32 [tilespmem:s30], [sflag:$0x6], $0x80, s25, s29, $0xb8;
	[tilespmem:$0x1D000] =	vst v63  }
0xd6: {  	_ =	swait.ge [sflag:s8], $0x2000  }
0xd7: {  	[sflag:s8] =	ssyncset.done $0x0  }
0xd8: {  	[sflag:s8] =	ssyncadd.s32 $0xFFFFE000  }
0xd9: {  	[tilespmem:s30], [sflag:$0x2] =	stream.indirect.gather [hbm4b:s4+s29], $0x80, s13, s29, $0xb8;
	[tilespmem:$0x1D000] =	vst v63  }
0xda: {  	_ =	swait.ge [sflag:s9], $0x2000  }
0xdb: {  	[sflag:s9] =	ssyncset.done $0x0  }
0xdc: {  	[sflag:s9] =	ssyncadd.s32 $0xFFFFE000  }
0xdd: {  	[spmem:s2] =	stream.indirect.scatter.add.f32 [tilespmem:s31], [sflag:$0x7], $0x80, s14, s29, $0xb8;
	[tilespmem:$0x1D000] =	vst v63  }
0xde: {  	_ =	swait.ge [sflag:s10], $0x2000  }
0xdf: {  	[sflag:s10] =	ssyncset.done $0x0  }
0xe0: {  	[sflag:s10] =	ssyncadd.s32 $0xFFFFE000  }
0xe1: {  	[tilespmem:s31], [sflag:$0x3] =	stream.indirect.gather [hbm4b:s4+s29], $0x80, s15, s29, $0xb8;
	[tilespmem:$0x1D000] =	vst v63  }
0xe2: {  	_ =	swait.ge [sflag:s11], $0x2000  }
0xe3: {  	[sflag:s11] =	ssyncset.done $0x0  }
0xe4: {  	[sflag:s11] =	ssyncadd.s32 $0xFFFFE000  }
0xe5: {  	[spmem:s2] =	stream.indirect.scatter.add.f32 [tilespmem:s1], [sflag:$0x8], $0x80, s16, s29, $0xb8;
	[tilespmem:$0x1D000] =	vst v63  }
0xe6: {  	_ =	swait.ge [sflag:s12], $0x2000  }
0xe7: {  	[sflag:s12] =	ssyncset.done $0x0  }
0xe8: {  	[sflag:s12] =	ssyncadd.s32 $0xFFFFE000  }
0xe9: {  	[tilespmem:s1], [sflag:$0x4] =	stream.indirect.gather [hbm4b:s4+s29], $0x80, s17, s29, $0xb8;
	[tilespmem:$0x1D000] =	vst v63  }
0xea: {  	_ =	swait.ge [sflag:s0], $0x2000  }
0xeb: {  	[sflag:s0] =	ssyncset.done $0x0  }
0xec: {  	[sflag:s0] =	ssyncadd.s32 $0xFFFFE000  }
0xed: {  	[spmem:s2] =	stream.indirect.scatter.add.f32 [tilespmem:s21], [sflag:$0x5], $0x80, s18, s29, $0xb8;
	[tilespmem:$0x1D000] =	vst v63  }
0xee: {  	_ =	swait.ge [sflag:s6], $0x2000  }
0xef: {  	[sflag:s6] =	ssyncset.done $0x0  }
0xf0: {  	[sflag:s6] =	ssyncadd.s32 $0xFFFFE000  }
0xf1: {  	_ =	swait.ge [sflag:s7], $0x2000  }
0xf2: {  	[sflag:s7] =	ssyncset.done $0x0  }
0xf3: {  	[sflag:s7] =	ssyncadd.s32 $0xFFFFE000  }
0xf4: {  	[spmem:s2] =	stream.indirect.scatter.add.f32 [tilespmem:s30], [sflag:$0x6], $0x80, s19, s29, $0xb8;
	[tilespmem:$0x1D000] =	vst v63  }
0xf5: {  	_ =	swait.ge [sflag:s8], $0x2000  }
0xf6: {  	[sflag:s8] =	ssyncset.done $0x0  }
0xf7: {  	[sflag:s8] =	ssyncadd.s32 $0xFFFFE000  }
0xf8: {  	_ =	swait.ge [sflag:s9], $0x2000  }
0xf9: {  	[sflag:s9] =	ssyncset.done $0x0  }
0xfa: {  	[sflag:s9] =	ssyncadd.s32 $0xFFFFE000  }
0xfb: {  	[spmem:s2] =	stream.indirect.scatter.add.f32 [tilespmem:s31], [sflag:$0x7], $0x80, s20, s29, $0xb8;
	[tilespmem:$0x1D000] =	vst v63  }
0xfc: {  	_ =	swait.ge [sflag:s10], $0x2000  }
0xfd: {  	[sflag:s10] =	ssyncset.done $0x0  }
0xfe: {  	[sflag:s10] =	ssyncadd.s32 $0xFFFFE000  }
0xff: {  	_ =	swait.ge [sflag:s11], $0x2000  }
0x100: {  	[sflag:s11] =	ssyncset.done $0x0  }
0x101: {  	[sflag:s11] =	ssyncadd.s32 $0xFFFFE000  }
0x102: {  	[spmem:s2] =	stream.indirect.scatter.add.f32 [tilespmem:s1], [sflag:$0x8], $0x80, s22, s29, $0xb8;
	[tilespmem:$0x1D000] =	vst v63  }
0x103: {  	s24 =	simm.s32 $0x100;
	_ =	swait.ge [sflag:s12], $0x2000  }
0x104: {  	s25 =	simm.s32 $0x200;
	s5 =	rddreg [dreg:$0x5];
	[sflag:s12] =	ssyncset.done $0x0  }
.LBB2_4:
0x105: {  	[sflag:s12] =	ssyncadd.s32 $0xFFFFE000;
	s5 =	sadd.s32 s24, s5  }
0x106: {  	[tilespmem:s3], [sflag:$0x9] =	stream.linear.gather [hbm4b:s5+s3], $0x800, $0x38;
	[tilespmem:$0x1D000] =	vst v63  }
0x107: {  	_ =	swait.ge [sflag:s26], $0x800  }
0x108: {  	s5 =	rddreg [dreg:$0x4];
	[sflag:s26] =	ssyncset.done $0x0  }
0x109: {  	[sflag:s26] =	ssyncadd.s32 $0xFFFFF800;
	s5 =	sadd.s32 s24, s5  }
0x10a: {  	[tilespmem:s28], [sflag:$0x9] =	stream.linear.gather [hbm4b:s5+s3], $0x800, $0x38;
	[tilespmem:$0x1D000] =	vst v63  }
0x10b: {  	_ =	swait.ge [sflag:s26], $0x800  }
0x10c: {  	[sflag:s26] =	ssyncset.done $0x0  }
0x10d: {  	[sflag:s26] =	ssyncadd.s32 $0xFFFFF800  }
0x10e: {  	[tilespmem:s21], [sflag:$0x1] =	stream.indirect.gather [hbm4b:s4+s29], $0x80, s3, s29, $0xb8;
	[tilespmem:$0x1D000] =	vst v63  }
0x10f: {  	s23 =	smov.u32 s25;
	s5 =	rddreg [dreg:$0x6]  }
0x110: {  	[tilespmem:s30], [sflag:$0x2] =	stream.indirect.gather [hbm4b:s4+s29], $0x80, s5, s29, $0xb8;
	[tilespmem:$0x1D000] =	vst v63  }
0x111: {  	s24 =	smov.u32 s23;
	s23 =	rddreg [dreg:$0x7]  }
0x112: {  	[tilespmem:s31], [sflag:$0x3] =	stream.indirect.gather [hbm4b:s4+s29], $0x80, s23, s29, $0xb8;
	[tilespmem:$0x1D000] =	vst v63  }
0x113: {  	s5 =	rddreg [dreg:$0x8]  }
0x114: {  	[tilespmem:s1], [sflag:$0x4] =	stream.indirect.gather [hbm4b:s4+s29], $0x80, s5, s29, $0xb8;
	[tilespmem:$0x1D000] =	vst v63  }
0x115: {  	_ =	swait.ge [sflag:s0], $0x2000  }
0x116: {  	[sflag:s0] =	ssyncset.done $0x0  }
0x117: {  	[sflag:s0] =	ssyncadd.s32 $0xFFFFE000  }
0x118: {  	[spmem:s2] =	stream.indirect.scatter.add.f32 [tilespmem:s21], [sflag:$0x5], $0x80, s28, s29, $0xb8;
	[tilespmem:$0x1D000] =	vst v63  }
0x119: {  	_ =	swait.ge [sflag:s6], $0x2000  }
0x11a: {  	[sflag:s6] =	ssyncset.done $0x0  }
0x11b: {  	s23 =	rddreg [dreg:$0x9];
	[sflag:s6] =	ssyncadd.s32 $0xFFFFE000  }
0x11c: {  	[tilespmem:s21], [sflag:$0x1] =	stream.indirect.gather [hbm4b:s4+s29], $0x80, s23, s29, $0xb8;
	[tilespmem:$0x1D000] =	vst v63  }
0x11d: {  	_ =	swait.ge [sflag:s7], $0x2000  }
0x11e: {  	[sflag:s7] =	ssyncset.done $0x0  }
0x11f: {  	s23 =	rddreg [dreg:$0xa];
	[sflag:s7] =	ssyncadd.s32 $0xFFFFE000  }
0x120: {  	[spmem:s2] =	stream.indirect.scatter.add.f32 [tilespmem:s30], [sflag:$0x6], $0x80, s23, s29, $0xb8;
	[tilespmem:$0x1D000] =	vst v63  }
0x121: {  	_ =	swait.ge [sflag:s8], $0x2000  }
0x122: {  	[sflag:s8] =	ssyncset.done $0x0  }
0x123: {  	s23 =	rddreg [dreg:$0xb];
	[sflag:s8] =	ssyncadd.s32 $0xFFFFE000  }
0x124: {  	[tilespmem:s30], [sflag:$0x2] =	stream.indirect.gather [hbm4b:s4+s29], $0x80, s23, s29, $0xb8;
	[tilespmem:$0x1D000] =	vst v63  }
0x125: {  	_ =	swait.ge [sflag:s9], $0x2000  }
0x126: {  	[sflag:s9] =	ssyncset.done $0x0  }
0x127: {  	s23 =	rddreg [dreg:$0xc];
	[sflag:s9] =	ssyncadd.s32 $0xFFFFE000  }
0x128: {  	[spmem:s2] =	stream.indirect.scatter.add.f32 [tilespmem:s31], [sflag:$0x7], $0x80, s23, s29, $0xb8;
	[tilespmem:$0x1D000] =	vst v63  }
0x129: {  	_ =	swait.ge [sflag:s10], $0x2000  }
0x12a: {  	[sflag:s10] =	ssyncset.done $0x0  }
0x12b: {  	s23 =	rddreg [dreg:$0xd];
	[sflag:s10] =	ssyncadd.s32 $0xFFFFE000  }
0x12c: {  	[tilespmem:s31], [sflag:$0x3] =	stream.indirect.gather [hbm4b:s4+s29], $0x80, s23, s29, $0xb8;
	[tilespmem:$0x1D000] =	vst v63  }
0x12d: {  	_ =	swait.ge [sflag:s11], $0x2000  }
0x12e: {  	[sflag:s11] =	ssyncset.done $0x0  }
0x12f: {  	s23 =	rddreg [dreg:$0xe];
	[sflag:s11] =	ssyncadd.s32 $0xFFFFE000  }
0x130: {  	[spmem:s2] =	stream.indirect.scatter.add.f32 [tilespmem:s1], [sflag:$0x8], $0x80, s23, s29, $0xb8;
	[tilespmem:$0x1D000] =	vst v63  }
0x131: {  	_ =	swait.ge [sflag:s12], $0x2000  }
0x132: {  	[sflag:s12] =	ssyncset.done $0x0  }
0x133: {  	s23 =	rddreg [dreg:$0xf];
	[sflag:s12] =	ssyncadd.s32 $0xFFFFE000  }
0x134: {  	[tilespmem:s1], [sflag:$0x4] =	stream.indirect.gather [hbm4b:s4+s29], $0x80, s23, s29, $0xb8;
	[tilespmem:$0x1D000] =	vst v63  }
0x135: {  	_ =	swait.ge [sflag:s0], $0x2000  }
0x136: {  	[sflag:s0] =	ssyncset.done $0x0  }
0x137: {  	s23 =	rddreg [dreg:$0x10];
	[sflag:s0] =	ssyncadd.s32 $0xFFFFE000  }
0x138: {  	[spmem:s2] =	stream.indirect.scatter.add.f32 [tilespmem:s21], [sflag:$0x5], $0x80, s23, s29, $0xb8;
	[tilespmem:$0x1D000] =	vst v63  }
0x139: {  	_ =	swait.ge [sflag:s6], $0x2000  }
0x13a: {  	[sflag:s6] =	ssyncset.done $0x0  }
0x13b: {  	s23 =	rddreg [dreg:$0x11];
	[sflag:s6] =	ssyncadd.s32 $0xFFFFE000  }
0x13c: {  	[tilespmem:s21], [sflag:$0x1] =	stream.indirect.gather [hbm4b:s4+s29], $0x80, s23, s29, $0xb8;
	[tilespmem:$0x1D000] =	vst v63  }
0x13d: {  	_ =	swait.ge [sflag:s7], $0x2000  }
0x13e: {  	[sflag:s7] =	ssyncset.done $0x0  }
0x13f: {  	s23 =	rddreg [dreg:$0x12];
	[sflag:s7] =	ssyncadd.s32 $0xFFFFE000  }
0x140: {  	[spmem:s2] =	stream.indirect.scatter.add.f32 [tilespmem:s30], [sflag:$0x6], $0x80, s23, s29, $0xb8;
	[tilespmem:$0x1D000] =	vst v63  }
0x141: {  	_ =	swait.ge [sflag:s8], $0x2000  }
0x142: {  	[sflag:s8] =	ssyncset.done $0x0  }
0x143: {  	s23 =	rddreg [dreg:$0x13];
	[sflag:s8] =	ssyncadd.s32 $0xFFFFE000  }
0x144: {  	[tilespmem:s30], [sflag:$0x2] =	stream.indirect.gather [hbm4b:s4+s29], $0x80, s23, s29, $0xb8;
	[tilespmem:$0x1D000] =	vst v63  }
0x145: {  	_ =	swait.ge [sflag:s9], $0x2000  }
0x146: {  	[sflag:s9] =	ssyncset.done $0x0  }
0x147: {  	s23 =	rddreg [dreg:$0x14];
	[sflag:s9] =	ssyncadd.s32 $0xFFFFE000  }
0x148: {  	[spmem:s2] =	stream.indirect.scatter.add.f32 [tilespmem:s31], [sflag:$0x7], $0x80, s23, s29, $0xb8;
	[tilespmem:$0x1D000] =	vst v63  }
0x149: {  	_ =	swait.ge [sflag:s10], $0x2000  }
0x14a: {  	[sflag:s10] =	ssyncset.done $0x0  }
0x14b: {  	s23 =	rddreg [dreg:$0x15];
	[sflag:s10] =	ssyncadd.s32 $0xFFFFE000  }
0x14c: {  	[tilespmem:s31], [sflag:$0x3] =	stream.indirect.gather [hbm4b:s4+s29], $0x80, s23, s29, $0xb8;
	[tilespmem:$0x1D000] =	vst v63  }
0x14d: {  	_ =	swait.ge [sflag:s11], $0x2000  }
0x14e: {  	[sflag:s11] =	ssyncset.done $0x0  }
0x14f: {  	s23 =	rddreg [dreg:$0x16];
	[sflag:s11] =	ssyncadd.s32 $0xFFFFE000  }
0x150: {  	[spmem:s2] =	stream.indirect.scatter.add.f32 [tilespmem:s1], [sflag:$0x8], $0x80, s23, s29, $0xb8;
	[tilespmem:$0x1D000] =	vst v63  }
0x151: {  	_ =	swait.ge [sflag:s12], $0x2000  }
0x152: {  	[sflag:s12] =	ssyncset.done $0x0  }
0x153: {  	s23 =	rddreg [dreg:$0x17];
	[sflag:s12] =	ssyncadd.s32 $0xFFFFE000  }
0x154: {  	[tilespmem:s1], [sflag:$0x4] =	stream.indirect.gather [hbm4b:s4+s29], $0x80, s23, s29, $0xb8;
	[tilespmem:$0x1D000] =	vst v63  }
0x155: {  	_ =	swait.ge [sflag:s0], $0x2000  }
0x156: {  	[sflag:s0] =	ssyncset.done $0x0  }
0x157: {  	s23 =	rddreg [dreg:$0x18];
	[sflag:s0] =	ssyncadd.s32 $0xFFFFE000  }
0x158: {  	[spmem:s2] =	stream.indirect.scatter.add.f32 [tilespmem:s21], [sflag:$0x5], $0x80, s23, s29, $0xb8;
	[tilespmem:$0x1D000] =	vst v63  }
0x159: {  	_ =	swait.ge [sflag:s6], $0x2000  }
0x15a: {  	[sflag:s6] =	ssyncset.done $0x0  }
0x15b: {  	s23 =	rddreg [dreg:$0x19];
	[sflag:s6] =	ssyncadd.s32 $0xFFFFE000  }
0x15c: {  	[tilespmem:s21], [sflag:$0x1] =	stream.indirect.gather [hbm4b:s4+s29], $0x80, s23, s29, $0xb8;
	[tilespmem:$0x1D000] =	vst v63  }
0x15d: {  	_ =	swait.ge [sflag:s7], $0x2000  }
0x15e: {  	[sflag:s7] =	ssyncset.done $0x0  }
0x15f: {  	s23 =	rddreg [dreg:$0x1a];
	[sflag:s7] =	ssyncadd.s32 $0xFFFFE000  }
0x160: {  	[spmem:s2] =	stream.indirect.scatter.add.f32 [tilespmem:s30], [sflag:$0x6], $0x80, s23, s29, $0xb8;
	[tilespmem:$0x1D000] =	vst v63  }
0x161: {  	_ =	swait.ge [sflag:s8], $0x2000  }
0x162: {  	[sflag:s8] =	ssyncset.done $0x0  }
0x163: {  	[sflag:s8] =	ssyncadd.s32 $0xFFFFE000  }
0x164: {  	[tilespmem:s30], [sflag:$0x2] =	stream.indirect.gather [hbm4b:s4+s29], $0x80, s13, s29, $0xb8;
	[tilespmem:$0x1D000] =	vst v63  }
0x165: {  	_ =	swait.ge [sflag:s9], $0x2000  }
0x166: {  	[sflag:s9] =	ssyncset.done $0x0  }
0x167: {  	[sflag:s9] =	ssyncadd.s32 $0xFFFFE000  }
0x168: {  	[spmem:s2] =	stream.indirect.scatter.add.f32 [tilespmem:s31], [sflag:$0x7], $0x80, s14, s29, $0xb8;
	[tilespmem:$0x1D000] =	vst v63  }
0x169: {  	_ =	swait.ge [sflag:s10], $0x2000  }
0x16a: {  	[sflag:s10] =	ssyncset.done $0x0  }
0x16b: {  	[sflag:s10] =	ssyncadd.s32 $0xFFFFE000  }
0x16c: {  	[tilespmem:s31], [sflag:$0x3] =	stream.indirect.gather [hbm4b:s4+s29], $0x80, s15, s29, $0xb8;
	[tilespmem:$0x1D000] =	vst v63  }
0x16d: {  	_ =	swait.ge [sflag:s11], $0x2000  }
0x16e: {  	[sflag:s11] =	ssyncset.done $0x0  }
0x16f: {  	[sflag:s11] =	ssyncadd.s32 $0xFFFFE000  }
0x170: {  	[spmem:s2] =	stream.indirect.scatter.add.f32 [tilespmem:s1], [sflag:$0x8], $0x80, s16, s29, $0xb8;
	[tilespmem:$0x1D000] =	vst v63  }
0x171: {  	_ =	swait.ge [sflag:s12], $0x2000  }
0x172: {  	[sflag:s12] =	ssyncset.done $0x0  }
0x173: {  	[sflag:s12] =	ssyncadd.s32 $0xFFFFE000  }
0x174: {  	[tilespmem:s1], [sflag:$0x4] =	stream.indirect.gather [hbm4b:s4+s29], $0x80, s17, s29, $0xb8;
	[tilespmem:$0x1D000] =	vst v63  }
0x175: {  	_ =	swait.ge [sflag:s0], $0x2000  }
0x176: {  	[sflag:s0] =	ssyncset.done $0x0  }
0x177: {  	[sflag:s0] =	ssyncadd.s32 $0xFFFFE000  }
0x178: {  	[spmem:s2] =	stream.indirect.scatter.add.f32 [tilespmem:s21], [sflag:$0x5], $0x80, s18, s29, $0xb8;
	[tilespmem:$0x1D000] =	vst v63  }
0x179: {  	_ =	swait.ge [sflag:s6], $0x2000  }
0x17a: {  	[sflag:s6] =	ssyncset.done $0x0  }
0x17b: {  	[sflag:s6] =	ssyncadd.s32 $0xFFFFE000  }
0x17c: {  	_ =	swait.ge [sflag:s7], $0x2000  }
0x17d: {  	[sflag:s7] =	ssyncset.done $0x0  }
0x17e: {  	[sflag:s7] =	ssyncadd.s32 $0xFFFFE000  }
0x17f: {  	[spmem:s2] =	stream.indirect.scatter.add.f32 [tilespmem:s30], [sflag:$0x6], $0x80, s19, s29, $0xb8;
	[tilespmem:$0x1D000] =	vst v63  }
0x180: {  	_ =	swait.ge [sflag:s8], $0x2000  }
0x181: {  	[sflag:s8] =	ssyncset.done $0x0  }
0x182: {  	[sflag:s8] =	ssyncadd.s32 $0xFFFFE000  }
0x183: {  	_ =	swait.ge [sflag:s9], $0x2000  }
0x184: {  	[sflag:s9] =	ssyncset.done $0x0  }
0x185: {  	[sflag:s9] =	ssyncadd.s32 $0xFFFFE000  }
0x186: {  	[spmem:s2] =	stream.indirect.scatter.add.f32 [tilespmem:s31], [sflag:$0x7], $0x80, s20, s29, $0xb8;
	[tilespmem:$0x1D000] =	vst v63  }
0x187: {  	_ =	swait.ge [sflag:s10], $0x2000  }
0x188: {  	[sflag:s10] =	ssyncset.done $0x0  }
0x189: {  	[sflag:s10] =	ssyncadd.s32 $0xFFFFE000  }
0x18a: {  	p0 =	sne.s32 s25, $0x900;
	_ =	swait.ge [sflag:s11], $0x2000  }
.Ltmp1:
0x18b: {  	[sflag:s11] =	ssyncset.done $0x0;
	(pc) =	sbr.rel @p0 .LBB2_4-.Ltmp1, $4  }
0x18c: {  	[sflag:s11] =	ssyncadd.s32 $0xFFFFE000  }
0x18d: {  	[spmem:s2] =	stream.indirect.scatter.add.f32 [tilespmem:s1], [sflag:$0x8], $0x80, s22, s29, $0xb8;
	[tilespmem:$0x1D000] =	vst v63  }
0x18e: {  	_ =	swait.ge [sflag:s12], $0x2000  }
0x18f: {  	s25 =	sadd.s32 $0x100, s25;
	s5 =	rddreg [dreg:$0x5];
	[sflag:s12] =	ssyncset.done $0x0  }
0x190: {  	[sflag:s12] =	ssyncadd.s32 $0xFFFFE000;
	s5 =	sadd.s32 s24, s5  }
0x191: {  	[tilespmem:s3], [sflag:$0x9] =	stream.linear.gather [hbm4b:s5+s3], $0x800, $0x38;
	[tilespmem:$0x1D000] =	vst v63  }
0x192: {  	_ =	swait.ge [sflag:s26], $0x800  }
0x193: {  	s23 =	rddreg [dreg:$0x4];
	[sflag:s26] =	ssyncset.done $0x0  }
0x194: {  	[sflag:s26] =	ssyncadd.s32 $0xFFFFF800;
	s5 =	sadd.s32 s24, s23  }
0x195: {  	[tilespmem:s28], [sflag:$0x9] =	stream.linear.gather [hbm4b:s5+s3], $0x800, $0x38;
	[tilespmem:$0x1D000] =	vst v63  }
0x196: {  	_ =	swait.ge [sflag:s26], $0x800  }
0x197: {  	[sflag:s26] =	ssyncset.done $0x0  }
0x198: {  	[sflag:s26] =	ssyncadd.s32 $0xFFFFF800  }
0x199: {  	[tilespmem:s21], [sflag:$0x1] =	stream.indirect.gather [hbm4b:s4+s29], $0x80, s3, s29, $0xb8;
	[tilespmem:$0x1D000] =	vst v63  }
0x19a: {  	s24 =	rddreg [dreg:$0x6]  }
0x19b: {  	[tilespmem:s30], [sflag:$0x2] =	stream.indirect.gather [hbm4b:s4+s29], $0x80, s24, s29, $0xb8;
	[tilespmem:$0x1D000] =	vst v63  }
0x19c: {  	s23 =	rddreg [dreg:$0x7]  }
0x19d: {  	[tilespmem:s31], [sflag:$0x3] =	stream.indirect.gather [hbm4b:s4+s29], $0x80, s23, s29, $0xb8;
	[tilespmem:$0x1D000] =	vst v63  }
0x19e: {  	s25 =	rddreg [dreg:$0x8]  }
0x19f: {  	[tilespmem:s1], [sflag:$0x4] =	stream.indirect.gather [hbm4b:s4+s29], $0x80, s25, s29, $0xb8;
	[tilespmem:$0x1D000] =	vst v63  }
0x1a0: {  	_ =	swait.ge [sflag:s0], $0x2000  }
0x1a1: {  	[sflag:s0] =	ssyncset.done $0x0  }
0x1a2: {  	[sflag:s0] =	ssyncadd.s32 $0xFFFFE000  }
0x1a3: {  	[spmem:s2] =	stream.indirect.scatter.add.f32 [tilespmem:s21], [sflag:$0x5], $0x80, s28, s29, $0xb8;
	[tilespmem:$0x1D000] =	vst v63  }
0x1a4: {  	_ =	swait.ge [sflag:s6], $0x2000  }
0x1a5: {  	[sflag:s6] =	ssyncset.done $0x0  }
0x1a6: {  	s23 =	rddreg [dreg:$0x9];
	[sflag:s6] =	ssyncadd.s32 $0xFFFFE000  }
0x1a7: {  	[tilespmem:s21], [sflag:$0x1] =	stream.indirect.gather [hbm4b:s4+s29], $0x80, s23, s29, $0xb8;
	[tilespmem:$0x1D000] =	vst v63  }
0x1a8: {  	_ =	swait.ge [sflag:s7], $0x2000  }
0x1a9: {  	[sflag:s7] =	ssyncset.done $0x0  }
0x1aa: {  	s24 =	rddreg [dreg:$0xa];
	[sflag:s7] =	ssyncadd.s32 $0xFFFFE000  }
0x1ab: {  	[spmem:s2] =	stream.indirect.scatter.add.f32 [tilespmem:s30], [sflag:$0x6], $0x80, s24, s29, $0xb8;
	[tilespmem:$0x1D000] =	vst v63  }
0x1ac: {  	_ =	swait.ge [sflag:s8], $0x2000  }
0x1ad: {  	[sflag:s8] =	ssyncset.done $0x0  }
0x1ae: {  	s25 =	rddreg [dreg:$0xb];
	[sflag:s8] =	ssyncadd.s32 $0xFFFFE000  }
0x1af: {  	[tilespmem:s30], [sflag:$0x2] =	stream.indirect.gather [hbm4b:s4+s29], $0x80, s25, s29, $0xb8;
	[tilespmem:$0x1D000] =	vst v63  }
0x1b0: {  	_ =	swait.ge [sflag:s9], $0x2000  }
0x1b1: {  	[sflag:s9] =	ssyncset.done $0x0  }
0x1b2: {  	s23 =	rddreg [dreg:$0xc];
	[sflag:s9] =	ssyncadd.s32 $0xFFFFE000  }
0x1b3: {  	[spmem:s2] =	stream.indirect.scatter.add.f32 [tilespmem:s31], [sflag:$0x7], $0x80, s23, s29, $0xb8;
	[tilespmem:$0x1D000] =	vst v63  }
0x1b4: {  	_ =	swait.ge [sflag:s10], $0x2000  }
0x1b5: {  	[sflag:s10] =	ssyncset.done $0x0  }
0x1b6: {  	s24 =	rddreg [dreg:$0xd];
	[sflag:s10] =	ssyncadd.s32 $0xFFFFE000  }
0x1b7: {  	[tilespmem:s31], [sflag:$0x3] =	stream.indirect.gather [hbm4b:s4+s29], $0x80, s24, s29, $0xb8;
	[tilespmem:$0x1D000] =	vst v63  }
0x1b8: {  	_ =	swait.ge [sflag:s11], $0x2000  }
0x1b9: {  	[sflag:s11] =	ssyncset.done $0x0  }
0x1ba: {  	s25 =	rddreg [dreg:$0xe];
	[sflag:s11] =	ssyncadd.s32 $0xFFFFE000  }
0x1bb: {  	[spmem:s2] =	stream.indirect.scatter.add.f32 [tilespmem:s1], [sflag:$0x8], $0x80, s25, s29, $0xb8;
	[tilespmem:$0x1D000] =	vst v63  }
0x1bc: {  	_ =	swait.ge [sflag:s12], $0x2000  }
0x1bd: {  	[sflag:s12] =	ssyncset.done $0x0  }
0x1be: {  	s23 =	rddreg [dreg:$0xf];
	[sflag:s12] =	ssyncadd.s32 $0xFFFFE000  }
0x1bf: {  	[tilespmem:s1], [sflag:$0x4] =	stream.indirect.gather [hbm4b:s4+s29], $0x80, s23, s29, $0xb8;
	[tilespmem:$0x1D000] =	vst v63  }
0x1c0: {  	_ =	swait.ge [sflag:s0], $0x2000  }
0x1c1: {  	[sflag:s0] =	ssyncset.done $0x0  }
0x1c2: {  	s24 =	rddreg [dreg:$0x10];
	[sflag:s0] =	ssyncadd.s32 $0xFFFFE000  }
0x1c3: {  	[spmem:s2] =	stream.indirect.scatter.add.f32 [tilespmem:s21], [sflag:$0x5], $0x80, s24, s29, $0xb8;
	[tilespmem:$0x1D000] =	vst v63  }
0x1c4: {  	_ =	swait.ge [sflag:s6], $0x2000  }
0x1c5: {  	[sflag:s6] =	ssyncset.done $0x0  }
0x1c6: {  	s25 =	rddreg [dreg:$0x11];
	[sflag:s6] =	ssyncadd.s32 $0xFFFFE000  }
0x1c7: {  	[tilespmem:s21], [sflag:$0x1] =	stream.indirect.gather [hbm4b:s4+s29], $0x80, s25, s29, $0xb8;
	[tilespmem:$0x1D000] =	vst v63  }
0x1c8: {  	_ =	swait.ge [sflag:s7], $0x2000  }
0x1c9: {  	[sflag:s7] =	ssyncset.done $0x0  }
0x1ca: {  	s23 =	rddreg [dreg:$0x12];
	[sflag:s7] =	ssyncadd.s32 $0xFFFFE000  }
0x1cb: {  	[spmem:s2] =	stream.indirect.scatter.add.f32 [tilespmem:s30], [sflag:$0x6], $0x80, s23, s29, $0xb8;
	[tilespmem:$0x1D000] =	vst v63  }
0x1cc: {  	_ =	swait.ge [sflag:s8], $0x2000  }
0x1cd: {  	[sflag:s8] =	ssyncset.done $0x0  }
0x1ce: {  	s24 =	rddreg [dreg:$0x13];
	[sflag:s8] =	ssyncadd.s32 $0xFFFFE000  }
0x1cf: {  	[tilespmem:s30], [sflag:$0x2] =	stream.indirect.gather [hbm4b:s4+s29], $0x80, s24, s29, $0xb8;
	[tilespmem:$0x1D000] =	vst v63  }
0x1d0: {  	_ =	swait.ge [sflag:s9], $0x2000  }
0x1d1: {  	[sflag:s9] =	ssyncset.done $0x0  }
0x1d2: {  	s25 =	rddreg [dreg:$0x14];
	[sflag:s9] =	ssyncadd.s32 $0xFFFFE000  }
0x1d3: {  	[spmem:s2] =	stream.indirect.scatter.add.f32 [tilespmem:s31], [sflag:$0x7], $0x80, s25, s29, $0xb8;
	[tilespmem:$0x1D000] =	vst v63  }
0x1d4: {  	_ =	swait.ge [sflag:s10], $0x2000  }
0x1d5: {  	[sflag:s10] =	ssyncset.done $0x0  }
0x1d6: {  	s23 =	rddreg [dreg:$0x15];
	[sflag:s10] =	ssyncadd.s32 $0xFFFFE000  }
0x1d7: {  	[tilespmem:s31], [sflag:$0x3] =	stream.indirect.gather [hbm4b:s4+s29], $0x80, s23, s29, $0xb8;
	[tilespmem:$0x1D000] =	vst v63  }
0x1d8: {  	_ =	swait.ge [sflag:s11], $0x2000  }
0x1d9: {  	[sflag:s11] =	ssyncset.done $0x0  }
0x1da: {  	s24 =	rddreg [dreg:$0x16];
	[sflag:s11] =	ssyncadd.s32 $0xFFFFE000  }
0x1db: {  	[spmem:s2] =	stream.indirect.scatter.add.f32 [tilespmem:s1], [sflag:$0x8], $0x80, s24, s29, $0xb8;
	[tilespmem:$0x1D000] =	vst v63  }
0x1dc: {  	_ =	swait.ge [sflag:s12], $0x2000  }
0x1dd: {  	[sflag:s12] =	ssyncset.done $0x0  }
0x1de: {  	s25 =	rddreg [dreg:$0x17];
	[sflag:s12] =	ssyncadd.s32 $0xFFFFE000  }
0x1df: {  	[tilespmem:s1], [sflag:$0x4] =	stream.indirect.gather [hbm4b:s4+s29], $0x80, s25, s29, $0xb8;
	[tilespmem:$0x1D000] =	vst v63  }
0x1e0: {  	_ =	swait.ge [sflag:s0], $0x2000  }
0x1e1: {  	[sflag:s0] =	ssyncset.done $0x0  }
0x1e2: {  	s23 =	rddreg [dreg:$0x18];
	[sflag:s0] =	ssyncadd.s32 $0xFFFFE000  }
0x1e3: {  	[spmem:s2] =	stream.indirect.scatter.add.f32 [tilespmem:s21], [sflag:$0x5], $0x80, s23, s29, $0xb8;
	[tilespmem:$0x1D000] =	vst v63  }
0x1e4: {  	_ =	swait.ge [sflag:s6], $0x2000  }
0x1e5: {  	[sflag:s6] =	ssyncset.done $0x0  }
0x1e6: {  	s24 =	rddreg [dreg:$0x19];
	[sflag:s6] =	ssyncadd.s32 $0xFFFFE000  }
0x1e7: {  	[tilespmem:s21], [sflag:$0x1] =	stream.indirect.gather [hbm4b:s4+s29], $0x80, s24, s29, $0xb8;
	[tilespmem:$0x1D000] =	vst v63  }
0x1e8: {  	_ =	swait.ge [sflag:s7], $0x2000  }
0x1e9: {  	[sflag:s7] =	ssyncset.done $0x0  }
0x1ea: {  	s25 =	rddreg [dreg:$0x1a];
	[sflag:s7] =	ssyncadd.s32 $0xFFFFE000  }
0x1eb: {  	[spmem:s2] =	stream.indirect.scatter.add.f32 [tilespmem:s30], [sflag:$0x6], $0x80, s25, s29, $0xb8;
	[tilespmem:$0x1D000] =	vst v63  }
0x1ec: {  	_ =	swait.ge [sflag:s8], $0x2000  }
0x1ed: {  	[sflag:s8] =	ssyncset.done $0x0  }
0x1ee: {  	[sflag:s8] =	ssyncadd.s32 $0xFFFFE000  }
0x1ef: {  	[tilespmem:s30], [sflag:$0x2] =	stream.indirect.gather [hbm4b:s4+s29], $0x80, s13, s29, $0xb8;
	[tilespmem:$0x1D000] =	vst v63  }
0x1f0: {  	_ =	swait.ge [sflag:s9], $0x2000  }
0x1f1: {  	[sflag:s9] =	ssyncset.done $0x0  }
0x1f2: {  	[sflag:s9] =	ssyncadd.s32 $0xFFFFE000  }
0x1f3: {  	[spmem:s2] =	stream.indirect.scatter.add.f32 [tilespmem:s31], [sflag:$0x7], $0x80, s14, s29, $0xb8;
	[tilespmem:$0x1D000] =	vst v63  }
0x1f4: {  	_ =	swait.ge [sflag:s10], $0x2000  }
0x1f5: {  	[sflag:s10] =	ssyncset.done $0x0  }
0x1f6: {  	[sflag:s10] =	ssyncadd.s32 $0xFFFFE000  }
0x1f7: {  	[tilespmem:s31], [sflag:$0x3] =	stream.indirect.gather [hbm4b:s4+s29], $0x80, s15, s29, $0xb8;
	[tilespmem:$0x1D000] =	vst v63  }
0x1f8: {  	_ =	swait.ge [sflag:s11], $0x2000  }
0x1f9: {  	[sflag:s11] =	ssyncset.done $0x0  }
0x1fa: {  	[sflag:s11] =	ssyncadd.s32 $0xFFFFE000  }
0x1fb: {  	[spmem:s2] =	stream.indirect.scatter.add.f32 [tilespmem:s1], [sflag:$0x8], $0x80, s16, s29, $0xb8;
	[tilespmem:$0x1D000] =	vst v63  }
0x1fc: {  	_ =	swait.ge [sflag:s12], $0x2000  }
0x1fd: {  	[sflag:s12] =	ssyncset.done $0x0  }
0x1fe: {  	[sflag:s12] =	ssyncadd.s32 $0xFFFFE000  }
0x1ff: {  	[tilespmem:s1], [sflag:$0x4] =	stream.indirect.gather [hbm4b:s4+s29], $0x80, s17, s29, $0xb8;
	[tilespmem:$0x1D000] =	vst v63  }
0x200: {  	_ =	swait.ge [sflag:s0], $0x2000  }
0x201: {  	[sflag:s0] =	ssyncset.done $0x0  }
0x202: {  	[sflag:s0] =	ssyncadd.s32 $0xFFFFE000  }
0x203: {  	[spmem:s2] =	stream.indirect.scatter.add.f32 [tilespmem:s21], [sflag:$0x5], $0x80, s18, s29, $0xb8;
	[tilespmem:$0x1D000] =	vst v63  }
0x204: {  	_ =	swait.ge [sflag:s6], $0x2000  }
0x205: {  	[sflag:s6] =	ssyncset.done $0x0  }
0x206: {  	[sflag:s6] =	ssyncadd.s32 $0xFFFFE000  }
0x207: {  	_ =	swait.ge [sflag:s7], $0x2000  }
0x208: {  	[sflag:s7] =	ssyncset.done $0x0  }
0x209: {  	[sflag:s7] =	ssyncadd.s32 $0xFFFFE000  }
0x20a: {  	[spmem:s2] =	stream.indirect.scatter.add.f32 [tilespmem:s30], [sflag:$0x6], $0x80, s19, s29, $0xb8;
	[tilespmem:$0x1D000] =	vst v63  }
0x20b: {  	_ =	swait.ge [sflag:s8], $0x2000  }
0x20c: {  	[sflag:s8] =	ssyncset.done $0x0  }
0x20d: {  	[sflag:s8] =	ssyncadd.s32 $0xFFFFE000  }
0x20e: {  	_ =	swait.ge [sflag:s9], $0x2000  }
0x20f: {  	[sflag:s9] =	ssyncset.done $0x0  }
0x210: {  	[sflag:s9] =	ssyncadd.s32 $0xFFFFE000  }
0x211: {  	[spmem:s2] =	stream.indirect.scatter.add.f32 [tilespmem:s31], [sflag:$0x7], $0x80, s20, s29, $0xb8;
	[tilespmem:$0x1D000] =	vst v63  }
0x212: {  	_ =	swait.ge [sflag:s10], $0x2000  }
0x213: {  	[sflag:s10] =	ssyncset.done $0x0  }
0x214: {  	[sflag:s10] =	ssyncadd.s32 $0xFFFFE000  }
0x215: {  	_ =	swait.ge [sflag:s11], $0x2000  }
0x216: {  	[sflag:s11] =	ssyncset.done $0x0  }
0x217: {  	[sflag:s11] =	ssyncadd.s32 $0xFFFFE000  }
0x218: {  	[spmem:s2] =	stream.indirect.scatter.add.f32 [tilespmem:s1], [sflag:$0x8], $0x80, s22, s29, $0xb8;
	[tilespmem:$0x1D000] =	vst v63  }
0x219: {  	_ =	swait.ge [sflag:s12], $0x2000  }
0x21a: {  	[sflag:s12] =	ssyncset.done $0x0  }
0x21b: {  	[sflag:s12] =	ssyncadd.s32 $0xFFFFE000  }
0x21c: {  	s23 =	stileid.u32;
	[bflag:$0x0] =	sbarrier.arrive $0xFFFF  }
0x21d: {  	s5 =	sshll.u32 s23, $0x6;
	s24 =	rddreg [dreg:$0x1b]  }
0x21e: {  	s5 =	sor.u32 $0x1C09, s5;
	s25 =	rddreg [dreg:$0x1c];
	s23 =	sshrl.u32 s24, $0x3  }
0x21f: {  	[hbm:s25], [sflag:s5] =	dma.local [spmem:s23], $0x800  }
0x220: {  	_ =	swait.ge [sflag:s26], $0x800  }
0x221: {  	s24 =	sld [smem:$0x7F5]  }
0x222: {  	s25 =	sld [smem:$0x7FA]  }
0x223: {  	[sflag:s26] =	ssyncset.done $0x0  }
0x224: {  	[sflag:s26] =	ssyncadd.s32 $0xFFFFF800  }
0x225: {  	[hbm:s24], [sflag:s5] =	dma.local [spmem:s25], $0x800  }
0x226: {  	_ =	swait.ge [sflag:s26], $0x800  }
0x227: {  	s24 =	sld [smem:$0x7F6]  }
0x228: {  	s25 =	sld [smem:$0x7FB]  }
0x229: {  	[sflag:s26] =	ssyncset.done $0x0  }
0x22a: {  	[sflag:s26] =	ssyncadd.s32 $0xFFFFF800  }
0x22b: {  	[hbm:s24], [sflag:s5] =	dma.local [spmem:s25], $0x800  }
0x22c: {  	_ =	swait.ge [sflag:s26], $0x800  }
0x22d: {  	s24 =	sld [smem:$0x7F7]  }
0x22e: {  	s25 =	sld [smem:$0x7FC]  }
0x22f: {  	[sflag:s26] =	ssyncset.done $0x0  }
0x230: {  	[sflag:s26] =	ssyncadd.s32 $0xFFFFF800  }
0x231: {  	[hbm:s24], [sflag:s5] =	dma.local [spmem:s25], $0x800  }
0x232: {  	_ =	swait.ge [sflag:s26], $0x800  }
0x233: {  	s24 =	sld [smem:$0x7F8]  }
0x234: {  	s25 =	sld [smem:$0x7FD]  }
0x235: {  	[sflag:s26] =	ssyncset.done $0x0  }
0x236: {  	[sflag:s26] =	ssyncadd.s32 $0xFFFFF800  }
0x237: {  	[hbm:s24], [sflag:s5] =	dma.local [spmem:s25], $0x800  }
0x238: {  	_ =	swait.ge [sflag:s26], $0x800  }
0x239: {  	s24 =	sld [smem:$0x7EE];
	_ =	sdelay $0x2  }
0x23a: {  	s25 =	rddreg [dreg:$0x1d];
	s23 =	sadd.s32 $0x1, s24  }
0x23b: {  	p0 =	sne.s32 s23, s25  }
.Ltmp2:
0x23c: {  	_ = 	snop;
	(pc) =	sbr.rel @p0 .LBB2_1-.Ltmp2, $3  }
0x23d: {  	_ =	sdelay $0x1  }
0x23e: {  	[sflag:s26] =	ssyncset.done $0x0  }
0x23f: {  	[sflag:s26] =	ssyncadd.s32 $0xFFFFF800  }
0x240: {  	_ =	sfence.sel $0x180000  }
0x241: {  	[bflag:$0x0] =	sbarrier.arrive $0xFFFF  }
0x242: {  	_ =	strace $0x9000004A  }
0x243: {  	s0 =	stileid.u32;
	[bflag:$0x2] =	sbarrier.arrive $0xFFFF  }
0x244: {  	p0 =	sne.s32 s0, $0x0;
	s0 =	rddreg [dreg:$0x3]  }
0x245: {  	s0 =	sadd.s32 @!p0 $0x100000, s0  }
0x246: {  	[sflag:s0] =	ssyncadd.tile.s32 @!p0 $0x1;
	_ =	shalt  }
.Lfunc_end2:
_tile_overlayer_lowered:
.L_overlay_start_2:
0x247: {  	(tag) =	ssettag $0x2  }
0x248: {  	s0 =	rddreg [dreg:$0x0];
	s2 =	stileid.u32  }
0x249: {  	s1 =	rddreg [dreg:$0x1];
	p0 =	sne.s32 s2, $0x0  }
0x24a: {  	s3 =	rddreg [dreg:$0x2];
	[bflag:$0x3] =	sbarrier.arrive $0xFFFF;
	s2 =	simm.s32 @!p0 $0x1C09  }
0x24b: {  	[timem:s3], [sflag:s2] =	dma.local @!p0 [hbm:s0], s1  }
0x24c: {  	s0 =	simm.s32 @!p0 $0x9  }
0x24d: {  	_ =	swait.ge @!p0 [sflag:s0], s1  }
0x24e: {  	s1 =	ssub.s32 @!p0 $0x0, s1;
	[sflag:s0] =	ssyncset.done @!p0 $0x0  }
0x24f: {  	[sflag:s0] =	ssyncadd.s32 @!p0 s1  }
0x250: {  	[bflag:$0x3] =	sbarrier.arrive $0xFFFF  }
0x251: {  	_ =	shalt  }

</sc_bundles>
